<compile_context>
chip_gen: v7x
topology: tpu7x:2x2x1
jax: 0.10.2.dev20260603
libtpu: 0.0.44.dev20260713+nightly
codegen_flags: <defaults>
</compile_context>

<pallas_src>
import functools

import jax
import jax.numpy as jnp
from jax import lax
from jax.experimental import pallas as pl
from jax.experimental.pallas import tpu as pltpu
from jax.experimental.pallas import tpu_sc as plsc

B = 4
SEQ = 2048
D = 64
VOCAB = 1000000
NC = 2
NS = 16
NW = NC * NS
ROWS = (B * SEQ) // NW
LANES = 16
WPB = SEQ // ROWS
GR = 128
NBUF = 8
FULL_G = VOCAB // GR
TAIL = VOCAB - FULL_G * GR

_mesh = plsc.VectorSubcoreMesh(core_axis_name="c", subcore_axis_name="s")


_KERNEL_KWARGS = dict(
    out_type=jax.ShapeDtypeStruct((B, D, SEQ), jnp.float32),
    mesh=_mesh,
    compiler_params=pltpu.CompilerParams(needs_layout_passes=False),
    scratch_types=[
        pltpu.VMEM((ROWS,), jnp.int32),
        *[pltpu.VMEM((D, GR), jnp.float32) for _ in range(NBUF)],
        pltpu.VMEM((D, TAIL), jnp.float32),
        pltpu.VMEM((D, ROWS), jnp.float32),
        pltpu.VMEM((D, ROWS), jnp.float32),
        *[pltpu.SemaphoreType.DMA for _ in range(NBUF)],
    ],
)


def _emb_body(
    idx_hbm, tok_hbm, tail_hbm, pos_hbm, out_hbm,
    idx_v, st0, st1, st2, st3, st4, st5, st6, st7,
    stail, res_v, pos_v,
    sm0, sm1, sm2, sm3, sm4, sm5, sm6, sm7,
):
    stages = (st0, st1, st2, st3, st4, st5, st6, st7)
    sems = (sm0, sm1, sm2, sm3, sm4, sm5, sm6, sm7)
    c = lax.axis_index("c")
    s = lax.axis_index("s")
    w = s * NC + c
    base = w * ROWS
    b = lax.div(w, WPB)
    s0 = pl.multiple_of(lax.mul(lax.rem(w, WPB), ROWS), ROWS)

    pltpu.sync_copy(idx_hbm.at[pl.ds(base, ROWS)], idx_v)

    def token_id(t):
        tvec = jnp.full((LANES,), t, dtype=jnp.int32)
        return plsc.load_gather(idx_v, [tvec])[0]

    def fire(t, stage, sem):
        i = token_id(t)
        g = lax.shift_right_logical(i, 7)
        gc = lax.min(g, FULL_G - 1)
        gs = pl.multiple_of(lax.mul(gc, GR), GR)
        pltpu.async_copy(tok_hbm.at[:, pl.ds(gs, GR)], stage, sem)
        return lax.rem(i, GR), (g >= FULL_G).astype(jnp.int32)

    def drain(stage, sem):
        pltpu.make_async_copy(pos_hbm.at[:, pl.ds(0, GR)], stage, sem).wait()

    def extract(t, col, is_tail, stage):
        cvec = jnp.full((LANES,), col, dtype=jnp.int32)
        ctail = jnp.minimum(cvec, TAIL - 1)
        tmask = jnp.full((LANES,), is_tail, dtype=jnp.int32) == 1
        tvec = jnp.full((LANES,), t, dtype=jnp.int32)
        for q in range(D // LANES):
            d16 = lax.iota(jnp.int32, LANES) + (q * LANES)
            vmain = plsc.load_gather(stage, [d16, cvec])
            vtail = plsc.load_gather(stail, [d16, ctail])
            plsc.store_scatter(res_v, [d16, tvec], jnp.where(tmask, vtail, vmain))

    carry0 = []
    for k in range(NBUF):
        ck, fk = fire(k, stages[k], sems[k])
        carry0 += [ck, fk]

    pltpu.sync_copy(tail_hbm, stail)
    pltpu.sync_copy(pos_hbm.at[:, pl.ds(s0, ROWS)], pos_v)

    def step(p, carry):
        t0 = lax.mul(p, NBUF)
        out = []
        for k in range(NBUF):
            ck, fk = carry[2 * k], carry[2 * k + 1]
            drain(stages[k], sems[k])
            extract(t0 + k, ck, fk, stages[k])
            ck2, fk2 = fire(
                lax.min(t0 + k + NBUF, ROWS - 1), stages[k], sems[k]
            )
            out += [ck2, fk2]
        return tuple(out)

    lax.fori_loop(0, ROWS // NBUF, step, tuple(carry0))
    for k in range(NBUF):
        drain(stages[k], sems[k])

    def add_dim(d, carry):
        for col in range(ROWS // LANES):
            co = col * LANES
            res_v[d, pl.ds(co, LANES)] = (
                res_v[d, pl.ds(co, LANES)] + pos_v[d, pl.ds(co, LANES)]
            )
        return carry

    lax.fori_loop(0, D, add_dim, 0, unroll=2)

    pltpu.sync_copy(res_v, out_hbm.at[b, :, pl.ds(s0, ROWS)])


_emb_lookup = pl.kernel(_emb_body, **_KERNEL_KWARGS)


def kernel(token_idx, tok_table, pos_table):
    idx = token_idx.reshape(-1).astype(jnp.int32)
    tail = jnp.transpose(tok_table[FULL_G * GR :, :])
    out_t = _emb_lookup(idx, tok_table.T, tail, pos_table.T)
    return jnp.transpose(out_t, (0, 2, 1))

# --- scband reference (transcript-rebuilt; emitter-appended) ---
"""Pipeline reference for scband-positional-encoding-39333310497398 (READ-ONLY COPY).

The authoritative reference and input builder live on the scoring server;
editing this copy changes nothing except your own understanding.
"""

import jax, jax.numpy as jnp
import numpy as np

VOCAB = 1000000
N_EMBD = 64
BLOCK = 2048
B = 4
SEQ = 2048

def setup_inputs(seed: int = 0) -> dict:
    key = jax.random.key(seed)
    k1, k2, k3 = jax.random.split(key, 3)
    token_idx = jax.random.randint(k1, (B, SEQ), 0, VOCAB, dtype=jnp.int64 if jax.config.jax_enable_x64 else jnp.int32)
    tok_table = jax.random.normal(k2, (VOCAB, N_EMBD), dtype=jnp.float32) * 0.02
    pos_table = jax.random.normal(k3, (BLOCK, N_EMBD), dtype=jnp.float32) * 0.02
    return {"token_idx": token_idx, "tok_table": tok_table, "pos_table": pos_table}

def reference(token_idx, tok_table, pos_table):
    b, seq_len = token_idx.shape
    pos = jnp.arange(0, seq_len)[None, :]  # [1, seq_len]
    tok_emb = jnp.take(tok_table, token_idx, axis=0)      # [b, seq_len, n_embd]
    pos_emb = jnp.take(pos_table, pos, axis=0)            # [1, seq_len, n_embd]
    # dropout with p=0.0 (eval / identity)
    return tok_emb + pos_emb

if __name__ == "__main__":
    import jax
    _d = setup_inputs()
    print(jax.jit(kernel)(*tuple(_d.values())))

</pallas_src>

<mosaic_0001>
#map = affine_map<(d0, d1) -> (0)>
#map1 = affine_map<(d0, d1) -> (0, 0)>
#map2 = affine_map<(d0, d1) -> (0, 0, 0)>
module attributes {stable_mosaic.version = 14 : i64} {
  func.func @_emb_body(%arg0: i32, %arg1: i32, %arg2: memref<8192xi32, #tpu.memory_space<hbm>>, %arg3: memref<64x1000000xf32, #tpu.memory_space<hbm>>, %arg4: memref<64x64xf32, #tpu.memory_space<hbm>>, %arg5: memref<64x2048xf32, #tpu.memory_space<hbm>>, %arg6: memref<4x64x2048xf32, #tpu.memory_space<hbm>>, %arg7: memref<256xi32, #tpu.memory_space<vmem>>, %arg8: memref<64x128xf32, #tpu.memory_space<vmem>>, %arg9: memref<64x128xf32, #tpu.memory_space<vmem>>, %arg10: memref<64x128xf32, #tpu.memory_space<vmem>>, %arg11: memref<64x128xf32, #tpu.memory_space<vmem>>, %arg12: memref<64x128xf32, #tpu.memory_space<vmem>>, %arg13: memref<64x128xf32, #tpu.memory_space<vmem>>, %arg14: memref<64x128xf32, #tpu.memory_space<vmem>>, %arg15: memref<64x128xf32, #tpu.memory_space<vmem>>, %arg16: memref<64x64xf32, #tpu.memory_space<vmem>>, %arg17: memref<64x256xf32, #tpu.memory_space<vmem>>, %arg18: memref<64x256xf32, #tpu.memory_space<vmem>>, %arg19: memref<!tpu.dma_semaphore, #tpu.memory_space<semaphore_mem>>, %arg20: memref<!tpu.dma_semaphore, #tpu.memory_space<semaphore_mem>>, %arg21: memref<!tpu.dma_semaphore, #tpu.memory_space<semaphore_mem>>, %arg22: memref<!tpu.dma_semaphore, #tpu.memory_space<semaphore_mem>>, %arg23: memref<!tpu.dma_semaphore, #tpu.memory_space<semaphore_mem>>, %arg24: memref<!tpu.dma_semaphore, #tpu.memory_space<semaphore_mem>>, %arg25: memref<!tpu.dma_semaphore, #tpu.memory_space<semaphore_mem>>, %arg26: memref<!tpu.dma_semaphore, #tpu.memory_space<semaphore_mem>>) attributes {dimension_semantics = [#tpu.dimension_semantics<core_parallel>, #tpu.dimension_semantics<subcore_parallel>], iteration_bounds = array<i64: 2, 16>, scalar_prefetch = 0 : i64, scratch_operands = 20 : i64, tpu.core_type = #tpu.core_type<sc_vector_subcore>, window_params = [{transform_indices = #map}, {transform_indices = #map1}, {transform_indices = #map1}, {transform_indices = #map1}, {transform_indices = #map2}]} {
    %mul3A = arith.constant 2 : i32
    %mul3A_0 = arith.muli %arg1, %mul3A : i32
    %add3A = arith.addi %mul3A_0, %arg0 : i32
    %mul3A_1 = arith.constant 256 : i32
    %mul3A_2 = arith.muli %add3A, %mul3A_1 : i32
    %div3A = arith.constant 8 : i32
    %div3A_3 = arith.divsi %add3A, %div3A : i32
    %rem3A = arith.constant 8 : i32
    %rem3A_4 = arith.remsi %add3A, %rem3A : i32
    %mul3A_5 = arith.constant 256 : i32
    %mul3A_6 = arith.muli %rem3A_4, %mul3A_5 : i32
    %multiple_of3A = tpu.assume_multiple %mul3A_6, 256 : i32
    "tpu.region"() ({
      %run_scoped3A = tpu.sem_alloc : memref<!tpu.dma_semaphore, #tpu.memory_space<semaphore_mem>>
      %dma_start3A_224 = tpu.memref_slice %arg2[%mul3A_2] : memref<8192xi32, #tpu.memory_space<hbm>> -> memref<256xi32, #tpu.memory_space<hbm>>
      %dma_start3A_225 = tpu.memref_slice %arg2[%mul3A_2] : memref<8192xi32, #tpu.memory_space<hbm>> -> memref<256xi32, #tpu.memory_space<hbm>>
      tpu.enqueue_dma source(%dma_start3A_225 : memref<256xi32, #tpu.memory_space<hbm>>) target(%arg7 : memref<256xi32, #tpu.memory_space<vmem>>) target_semaphore(%run_scoped3A : memref<!tpu.dma_semaphore, #tpu.memory_space<semaphore_mem>>)
      %dma_wait3A_226 = tpu.memref_slice %arg2[%mul3A_2] : memref<8192xi32, #tpu.memory_space<hbm>> -> memref<256xi32, #tpu.memory_space<hbm>>
      %dma_wait3A_227 = tpu.memref_slice %arg2[%mul3A_2] : memref<8192xi32, #tpu.memory_space<hbm>> -> memref<256xi32, #tpu.memory_space<hbm>>
      tpu.wait_dma2 semaphore(%run_scoped3A : memref<!tpu.dma_semaphore, #tpu.memory_space<semaphore_mem>>) src(%dma_wait3A_227 : memref<256xi32, #tpu.memory_space<hbm>>) dst(%arg7 : memref<256xi32, #tpu.memory_space<vmem>>)
      tpu.yield
    }) : () -> ()
    %broadcast_in_dim3A = arith.constant 0 : i32
    %broadcast_in_dim3A_7 = vector.broadcast %broadcast_in_dim3A : i32 to vector<16xi32>
    %gather3A = tpu.vector_load_idx %arg7[%broadcast_in_dim3A_7] : memref<256xi32, #tpu.memory_space<vmem>>[vector<16xi32>], vector<16xi32>,
    %slice3A = vector.extract_strided_slice %gather3A {offsets = [0], sizes = [1], strides = [1]} : vector<16xi32> to vector<1xi32>
    %squeeze3A = vector.extract %slice3A[0] : i32 from vector<1xi32>
    %shift_right_logical3A = arith.constant 7 : i32
    %shift_right_logical3A_8 = arith.shrui %squeeze3A, %shift_right_logical3A : i32
    %min3A = arith.constant 7811 : i32
    %min3A_9 = arith.minsi %shift_right_logical3A_8, %min3A : i32
    %mul3A_10 = arith.constant 128 : i32
    %mul3A_11 = arith.muli %min3A_9, %mul3A_10 : i32
    %multiple_of3A_12 = tpu.assume_multiple %mul3A_11, 128 : i32
    %dma_start3A = arith.constant 0 : i32
    %dma_start3A_13 = tpu.memref_slice %arg3[%dma_start3A, %multiple_of3A_12] : memref<64x1000000xf32, #tpu.memory_space<hbm>> -> memref<64x128xf32, #tpu.memory_space<hbm>>
    %dma_start3A_14 = arith.constant 0 : i32
    %dma_start3A_15 = tpu.memref_slice %arg3[%dma_start3A_14, %multiple_of3A_12] : memref<64x1000000xf32, #tpu.memory_space<hbm>> -> memref<64x128xf32, #tpu.memory_space<hbm>>
    tpu.enqueue_dma source(%dma_start3A_15 : memref<64x128xf32, #tpu.memory_space<hbm>>) target(%arg8 : memref<64x128xf32, #tpu.memory_space<vmem>>) target_semaphore(%arg19 : memref<!tpu.dma_semaphore, #tpu.memory_space<semaphore_mem>>)
    %rem3A_16 = arith.constant 128 : i32
    %rem3A_17 = arith.remsi %squeeze3A, %rem3A_16 : i32
    %ge3A = arith.constant 7812 : i32
    %ge3A_18 = arith.cmpi sge, %shift_right_logical3A_8, %ge3A : i32
    %convert_element_type3A = arith.extui %ge3A_18 : i1 to i32
    %broadcast_in_dim3A_19 = arith.constant 1 : i32
    %broadcast_in_dim3A_20 = vector.broadcast %broadcast_in_dim3A_19 : i32 to vector<16xi32>
    %gather3A_21 = tpu.vector_load_idx %arg7[%broadcast_in_dim3A_20] : memref<256xi32, #tpu.memory_space<vmem>>[vector<16xi32>], vector<16xi32>,
    %slice3A_22 = vector.extract_strided_slice %gather3A_21 {offsets = [0], sizes = [1], strides = [1]} : vector<16xi32> to vector<1xi32>
    %squeeze3A_23 = vector.extract %slice3A_22[0] : i32 from vector<1xi32>
    %shift_right_logical3A_24 = arith.constant 7 : i32
    %shift_right_logical3A_25 = arith.shrui %squeeze3A_23, %shift_right_logical3A_24 : i32
    %min3A_26 = arith.constant 7811 : i32
    %min3A_27 = arith.minsi %shift_right_logical3A_25, %min3A_26 : i32
    %mul3A_28 = arith.constant 128 : i32
    %mul3A_29 = arith.muli %min3A_27, %mul3A_28 : i32
    %multiple_of3A_30 = tpu.assume_multiple %mul3A_29, 128 : i32
    %dma_start3A_31 = arith.constant 0 : i32
    %dma_start3A_32 = tpu.memref_slice %arg3[%dma_start3A_31, %multiple_of3A_30] : memref<64x1000000xf32, #tpu.memory_space<hbm>> -> memref<64x128xf32, #tpu.memory_space<hbm>>
    %dma_start3A_33 = arith.constant 0 : i32
    %dma_start3A_34 = tpu.memref_slice %arg3[%dma_start3A_33, %multiple_of3A_30] : memref<64x1000000xf32, #tpu.memory_space<hbm>> -> memref<64x128xf32, #tpu.memory_space<hbm>>
    tpu.enqueue_dma source(%dma_start3A_34 : memref<64x128xf32, #tpu.memory_space<hbm>>) target(%arg9 : memref<64x128xf32, #tpu.memory_space<vmem>>) target_semaphore(%arg20 : memref<!tpu.dma_semaphore, #tpu.memory_space<semaphore_mem>>)
    %rem3A_35 = arith.constant 128 : i32
    %rem3A_36 = arith.remsi %squeeze3A_23, %rem3A_35 : i32
    %ge3A_37 = arith.constant 7812 : i32
    %ge3A_38 = arith.cmpi sge, %shift_right_logical3A_25, %ge3A_37 : i32
    %convert_element_type3A_39 = arith.extui %ge3A_38 : i1 to i32
    %broadcast_in_dim3A_40 = arith.constant 2 : i32
    %broadcast_in_dim3A_41 = vector.broadcast %broadcast_in_dim3A_40 : i32 to vector<16xi32>
    %gather3A_42 = tpu.vector_load_idx %arg7[%broadcast_in_dim3A_41] : memref<256xi32, #tpu.memory_space<vmem>>[vector<16xi32>], vector<16xi32>,
    %slice3A_43 = vector.extract_strided_slice %gather3A_42 {offsets = [0], sizes = [1], strides = [1]} : vector<16xi32> to vector<1xi32>
    %squeeze3A_44 = vector.extract %slice3A_43[0] : i32 from vector<1xi32>
    %shift_right_logical3A_45 = arith.constant 7 : i32
    %shift_right_logical3A_46 = arith.shrui %squeeze3A_44, %shift_right_logical3A_45 : i32
    %min3A_47 = arith.constant 7811 : i32
    %min3A_48 = arith.minsi %shift_right_logical3A_46, %min3A_47 : i32
    %mul3A_49 = arith.constant 128 : i32
    %mul3A_50 = arith.muli %min3A_48, %mul3A_49 : i32
    %multiple_of3A_51 = tpu.assume_multiple %mul3A_50, 128 : i32
    %dma_start3A_52 = arith.constant 0 : i32
    %dma_start3A_53 = tpu.memref_slice %arg3[%dma_start3A_52, %multiple_of3A_51] : memref<64x1000000xf32, #tpu.memory_space<hbm>> -> memref<64x128xf32, #tpu.memory_space<hbm>>
    %dma_start3A_54 = arith.constant 0 : i32
    %dma_start3A_55 = tpu.memref_slice %arg3[%dma_start3A_54, %multiple_of3A_51] : memref<64x1000000xf32, #tpu.memory_space<hbm>> -> memref<64x128xf32, #tpu.memory_space<hbm>>
    tpu.enqueue_dma source(%dma_start3A_55 : memref<64x128xf32, #tpu.memory_space<hbm>>) target(%arg10 : memref<64x128xf32, #tpu.memory_space<vmem>>) target_semaphore(%arg21 : memref<!tpu.dma_semaphore, #tpu.memory_space<semaphore_mem>>)
    %rem3A_56 = arith.constant 128 : i32
    %rem3A_57 = arith.remsi %squeeze3A_44, %rem3A_56 : i32
    %ge3A_58 = arith.constant 7812 : i32
    %ge3A_59 = arith.cmpi sge, %shift_right_logical3A_46, %ge3A_58 : i32
    %convert_element_type3A_60 = arith.extui %ge3A_59 : i1 to i32
    %broadcast_in_dim3A_61 = arith.constant 3 : i32
    %broadcast_in_dim3A_62 = vector.broadcast %broadcast_in_dim3A_61 : i32 to vector<16xi32>
    %gather3A_63 = tpu.vector_load_idx %arg7[%broadcast_in_dim3A_62] : memref<256xi32, #tpu.memory_space<vmem>>[vector<16xi32>], vector<16xi32>,
    %slice3A_64 = vector.extract_strided_slice %gather3A_63 {offsets = [0], sizes = [1], strides = [1]} : vector<16xi32> to vector<1xi32>
    %squeeze3A_65 = vector.extract %slice3A_64[0] : i32 from vector<1xi32>
    %shift_right_logical3A_66 = arith.constant 7 : i32
    %shift_right_logical3A_67 = arith.shrui %squeeze3A_65, %shift_right_logical3A_66 : i32
    %min3A_68 = arith.constant 7811 : i32
    %min3A_69 = arith.minsi %shift_right_logical3A_67, %min3A_68 : i32
    %mul3A_70 = arith.constant 128 : i32
    %mul3A_71 = arith.muli %min3A_69, %mul3A_70 : i32
    %multiple_of3A_72 = tpu.assume_multiple %mul3A_71, 128 : i32
    %dma_start3A_73 = arith.constant 0 : i32
    %dma_start3A_74 = tpu.memref_slice %arg3[%dma_start3A_73, %multiple_of3A_72] : memref<64x1000000xf32, #tpu.memory_space<hbm>> -> memref<64x128xf32, #tpu.memory_space<hbm>>
    %dma_start3A_75 = arith.constant 0 : i32
    %dma_start3A_76 = tpu.memref_slice %arg3[%dma_start3A_75, %multiple_of3A_72] : memref<64x1000000xf32, #tpu.memory_space<hbm>> -> memref<64x128xf32, #tpu.memory_space<hbm>>
    tpu.enqueue_dma source(%dma_start3A_76 : memref<64x128xf32, #tpu.memory_space<hbm>>) target(%arg11 : memref<64x128xf32, #tpu.memory_space<vmem>>) target_semaphore(%arg22 : memref<!tpu.dma_semaphore, #tpu.memory_space<semaphore_mem>>)
    %rem3A_77 = arith.constant 128 : i32
    %rem3A_78 = arith.remsi %squeeze3A_65, %rem3A_77 : i32
    %ge3A_79 = arith.constant 7812 : i32
    %ge3A_80 = arith.cmpi sge, %shift_right_logical3A_67, %ge3A_79 : i32
    %convert_element_type3A_81 = arith.extui %ge3A_80 : i1 to i32
    %broadcast_in_dim3A_82 = arith.constant 4 : i32
    %broadcast_in_dim3A_83 = vector.broadcast %broadcast_in_dim3A_82 : i32 to vector<16xi32>
    %gather3A_84 = tpu.vector_load_idx %arg7[%broadcast_in_dim3A_83] : memref<256xi32, #tpu.memory_space<vmem>>[vector<16xi32>], vector<16xi32>,
    %slice3A_85 = vector.extract_strided_slice %gather3A_84 {offsets = [0], sizes = [1], strides = [1]} : vector<16xi32> to vector<1xi32>
    %squeeze3A_86 = vector.extract %slice3A_85[0] : i32 from vector<1xi32>
    %shift_right_logical3A_87 = arith.constant 7 : i32
    %shift_right_logical3A_88 = arith.shrui %squeeze3A_86, %shift_right_logical3A_87 : i32
    %min3A_89 = arith.constant 7811 : i32
    %min3A_90 = arith.minsi %shift_right_logical3A_88, %min3A_89 : i32
    %mul3A_91 = arith.constant 128 : i32
    %mul3A_92 = arith.muli %min3A_90, %mul3A_91 : i32
    %multiple_of3A_93 = tpu.assume_multiple %mul3A_92, 128 : i32
    %dma_start3A_94 = arith.constant 0 : i32
    %dma_start3A_95 = tpu.memref_slice %arg3[%dma_start3A_94, %multiple_of3A_93] : memref<64x1000000xf32, #tpu.memory_space<hbm>> -> memref<64x128xf32, #tpu.memory_space<hbm>>
    %dma_start3A_96 = arith.constant 0 : i32
    %dma_start3A_97 = tpu.memref_slice %arg3[%dma_start3A_96, %multiple_of3A_93] : memref<64x1000000xf32, #tpu.memory_space<hbm>> -> memref<64x128xf32, #tpu.memory_space<hbm>>
    tpu.enqueue_dma source(%dma_start3A_97 : memref<64x128xf32, #tpu.memory_space<hbm>>) target(%arg12 : memref<64x128xf32, #tpu.memory_space<vmem>>) target_semaphore(%arg23 : memref<!tpu.dma_semaphore, #tpu.memory_space<semaphore_mem>>)
    %rem3A_98 = arith.constant 128 : i32
    %rem3A_99 = arith.remsi %squeeze3A_86, %rem3A_98 : i32
    %ge3A_100 = arith.constant 7812 : i32
    %ge3A_101 = arith.cmpi sge, %shift_right_logical3A_88, %ge3A_100 : i32
    %convert_element_type3A_102 = arith.extui %ge3A_101 : i1 to i32
    %broadcast_in_dim3A_103 = arith.constant 5 : i32
    %broadcast_in_dim3A_104 = vector.broadcast %broadcast_in_dim3A_103 : i32 to vector<16xi32>
    %gather3A_105 = tpu.vector_load_idx %arg7[%broadcast_in_dim3A_104] : memref<256xi32, #tpu.memory_space<vmem>>[vector<16xi32>], vector<16xi32>,
    %slice3A_106 = vector.extract_strided_slice %gather3A_105 {offsets = [0], sizes = [1], strides = [1]} : vector<16xi32> to vector<1xi32>
    %squeeze3A_107 = vector.extract %slice3A_106[0] : i32 from vector<1xi32>
    %shift_right_logical3A_108 = arith.constant 7 : i32
    %shift_right_logical3A_109 = arith.shrui %squeeze3A_107, %shift_right_logical3A_108 : i32
    %min3A_110 = arith.constant 7811 : i32
    %min3A_111 = arith.minsi %shift_right_logical3A_109, %min3A_110 : i32
    %mul3A_112 = arith.constant 128 : i32
    %mul3A_113 = arith.muli %min3A_111, %mul3A_112 : i32
    %multiple_of3A_114 = tpu.assume_multiple %mul3A_113, 128 : i32
    %dma_start3A_115 = arith.constant 0 : i32
    %dma_start3A_116 = tpu.memref_slice %arg3[%dma_start3A_115, %multiple_of3A_114] : memref<64x1000000xf32, #tpu.memory_space<hbm>> -> memref<64x128xf32, #tpu.memory_space<hbm>>
    %dma_start3A_117 = arith.constant 0 : i32
    %dma_start3A_118 = tpu.memref_slice %arg3[%dma_start3A_117, %multiple_of3A_114] : memref<64x1000000xf32, #tpu.memory_space<hbm>> -> memref<64x128xf32, #tpu.memory_space<hbm>>
    tpu.enqueue_dma source(%dma_start3A_118 : memref<64x128xf32, #tpu.memory_space<hbm>>) target(%arg13 : memref<64x128xf32, #tpu.memory_space<vmem>>) target_semaphore(%arg24 : memref<!tpu.dma_semaphore, #tpu.memory_space<semaphore_mem>>)
    %rem3A_119 = arith.constant 128 : i32
    %rem3A_120 = arith.remsi %squeeze3A_107, %rem3A_119 : i32
    %ge3A_121 = arith.constant 7812 : i32
    %ge3A_122 = arith.cmpi sge, %shift_right_logical3A_109, %ge3A_121 : i32
    %convert_element_type3A_123 = arith.extui %ge3A_122 : i1 to i32
    %broadcast_in_dim3A_124 = arith.constant 6 : i32
    %broadcast_in_dim3A_125 = vector.broadcast %broadcast_in_dim3A_124 : i32 to vector<16xi32>
    %gather3A_126 = tpu.vector_load_idx %arg7[%broadcast_in_dim3A_125] : memref<256xi32, #tpu.memory_space<vmem>>[vector<16xi32>], vector<16xi32>,
    %slice3A_127 = vector.extract_strided_slice %gather3A_126 {offsets = [0], sizes = [1], strides = [1]} : vector<16xi32> to vector<1xi32>
    %squeeze3A_128 = vector.extract %slice3A_127[0] : i32 from vector<1xi32>
    %shift_right_logical3A_129 = arith.constant 7 : i32
    %shift_right_logical3A_130 = arith.shrui %squeeze3A_128, %shift_right_logical3A_129 : i32
    %min3A_131 = arith.constant 7811 : i32
    %min3A_132 = arith.minsi %shift_right_logical3A_130, %min3A_131 : i32
    %mul3A_133 = arith.constant 128 : i32
    %mul3A_134 = arith.muli %min3A_132, %mul3A_133 : i32
    %multiple_of3A_135 = tpu.assume_multiple %mul3A_134, 128 : i32
    %dma_start3A_136 = arith.constant 0 : i32
    %dma_start3A_137 = tpu.memref_slice %arg3[%dma_start3A_136, %multiple_of3A_135] : memref<64x1000000xf32, #tpu.memory_space<hbm>> -> memref<64x128xf32, #tpu.memory_space<hbm>>
    %dma_start3A_138 = arith.constant 0 : i32
    %dma_start3A_139 = tpu.memref_slice %arg3[%dma_start3A_138, %multiple_of3A_135] : memref<64x1000000xf32, #tpu.memory_space<hbm>> -> memref<64x128xf32, #tpu.memory_space<hbm>>
    tpu.enqueue_dma source(%dma_start3A_139 : memref<64x128xf32, #tpu.memory_space<hbm>>) target(%arg14 : memref<64x128xf32, #tpu.memory_space<vmem>>) target_semaphore(%arg25 : memref<!tpu.dma_semaphore, #tpu.memory_space<semaphore_mem>>)
    %rem3A_140 = arith.constant 128 : i32
    %rem3A_141 = arith.remsi %squeeze3A_128, %rem3A_140 : i32
    %ge3A_142 = arith.constant 7812 : i32
    %ge3A_143 = arith.cmpi sge, %shift_right_logical3A_130, %ge3A_142 : i32
    %convert_element_type3A_144 = arith.extui %ge3A_143 : i1 to i32
    %broadcast_in_dim3A_145 = arith.constant 7 : i32
    %broadcast_in_dim3A_146 = vector.broadcast %broadcast_in_dim3A_145 : i32 to vector<16xi32>
    %gather3A_147 = tpu.vector_load_idx %arg7[%broadcast_in_dim3A_146] : memref<256xi32, #tpu.memory_space<vmem>>[vector<16xi32>], vector<16xi32>,
    %slice3A_148 = vector.extract_strided_slice %gather3A_147 {offsets = [0], sizes = [1], strides = [1]} : vector<16xi32> to vector<1xi32>
    %squeeze3A_149 = vector.extract %slice3A_148[0] : i32 from vector<1xi32>
    %shift_right_logical3A_150 = arith.constant 7 : i32
    %shift_right_logical3A_151 = arith.shrui %squeeze3A_149, %shift_right_logical3A_150 : i32
    %min3A_152 = arith.constant 7811 : i32
    %min3A_153 = arith.minsi %shift_right_logical3A_151, %min3A_152 : i32
    %mul3A_154 = arith.constant 128 : i32
    %mul3A_155 = arith.muli %min3A_153, %mul3A_154 : i32
    %multiple_of3A_156 = tpu.assume_multiple %mul3A_155, 128 : i32
    %dma_start3A_157 = arith.constant 0 : i32
    %dma_start3A_158 = tpu.memref_slice %arg3[%dma_start3A_157, %multiple_of3A_156] : memref<64x1000000xf32, #tpu.memory_space<hbm>> -> memref<64x128xf32, #tpu.memory_space<hbm>>
    %dma_start3A_159 = arith.constant 0 : i32
    %dma_start3A_160 = tpu.memref_slice %arg3[%dma_start3A_159, %multiple_of3A_156] : memref<64x1000000xf32, #tpu.memory_space<hbm>> -> memref<64x128xf32, #tpu.memory_space<hbm>>
    tpu.enqueue_dma source(%dma_start3A_160 : memref<64x128xf32, #tpu.memory_space<hbm>>) target(%arg15 : memref<64x128xf32, #tpu.memory_space<vmem>>) target_semaphore(%arg26 : memref<!tpu.dma_semaphore, #tpu.memory_space<semaphore_mem>>)
    %rem3A_161 = arith.constant 128 : i32
    %rem3A_162 = arith.remsi %squeeze3A_149, %rem3A_161 : i32
    %ge3A_163 = arith.constant 7812 : i32
    %ge3A_164 = arith.cmpi sge, %shift_right_logical3A_151, %ge3A_163 : i32
    %convert_element_type3A_165 = arith.extui %ge3A_164 : i1 to i32
    "tpu.region"() ({
      %run_scoped3A = tpu.sem_alloc : memref<!tpu.dma_semaphore, #tpu.memory_space<semaphore_mem>>
      tpu.enqueue_dma source(%arg4 : memref<64x64xf32, #tpu.memory_space<hbm>>) target(%arg16 : memref<64x64xf32, #tpu.memory_space<vmem>>) target_semaphore(%run_scoped3A : memref<!tpu.dma_semaphore, #tpu.memory_space<semaphore_mem>>)
      tpu.wait_dma2 semaphore(%run_scoped3A : memref<!tpu.dma_semaphore, #tpu.memory_space<semaphore_mem>>) src(%arg4 : memref<64x64xf32, #tpu.memory_space<hbm>>) dst(%arg16 : memref<64x64xf32, #tpu.memory_space<vmem>>)
      tpu.yield
    }) : () -> ()
    "tpu.region"() ({
      %run_scoped3A = tpu.sem_alloc : memref<!tpu.dma_semaphore, #tpu.memory_space<semaphore_mem>>
      %dma_start3A_224 = arith.constant 0 : i32
      %dma_start3A_225 = tpu.memref_slice %arg5[%dma_start3A_224, %multiple_of3A] : memref<64x2048xf32, #tpu.memory_space<hbm>> -> memref<64x256xf32, #tpu.memory_space<hbm>>
      %dma_start3A_226 = arith.constant 0 : i32
      %dma_start3A_227 = tpu.memref_slice %arg5[%dma_start3A_226, %multiple_of3A] : memref<64x2048xf32, #tpu.memory_space<hbm>> -> memref<64x256xf32, #tpu.memory_space<hbm>>
      tpu.enqueue_dma source(%dma_start3A_227 : memref<64x256xf32, #tpu.memory_space<hbm>>) target(%arg18 : memref<64x256xf32, #tpu.memory_space<vmem>>) target_semaphore(%run_scoped3A : memref<!tpu.dma_semaphore, #tpu.memory_space<semaphore_mem>>)
      %dma_wait3A_228 = arith.constant 0 : i32
      %dma_wait3A_229 = tpu.memref_slice %arg5[%dma_wait3A_228, %multiple_of3A] : memref<64x2048xf32, #tpu.memory_space<hbm>> -> memref<64x256xf32, #tpu.memory_space<hbm>>
      %dma_wait3A_230 = arith.constant 0 : i32
      %dma_wait3A_231 = tpu.memref_slice %arg5[%dma_wait3A_230, %multiple_of3A] : memref<64x2048xf32, #tpu.memory_space<hbm>> -> memref<64x256xf32, #tpu.memory_space<hbm>>
      tpu.wait_dma2 semaphore(%run_scoped3A : memref<!tpu.dma_semaphore, #tpu.memory_space<semaphore_mem>>) src(%dma_wait3A_231 : memref<64x256xf32, #tpu.memory_space<hbm>>) dst(%arg18 : memref<64x256xf32, #tpu.memory_space<vmem>>)
      tpu.yield
    }) : () -> ()
    %scan3A = arith.constant 0 : i32
    %scan3A_166 = arith.constant 32 : i32
    %scan3A_167 = arith.addi %scan3A, %scan3A_166 : i32
    %scan3A_168 = arith.constant 1 : i32
    %scan3A_169:16 = scf.for %scan3A_224 = %scan3A to %scan3A_167 step %scan3A_168 iter_args(%scan3A_225 = %rem3A_17, %scan3A_226 = %convert_element_type3A, %scan3A_227 = %rem3A_36, %scan3A_228 = %convert_element_type3A_39, %scan3A_229 = %rem3A_57, %scan3A_230 = %convert_element_type3A_60, %scan3A_231 = %rem3A_78, %scan3A_232 = %convert_element_type3A_81, %scan3A_233 = %rem3A_99, %scan3A_234 = %convert_element_type3A_102, %scan3A_235 = %rem3A_120, %scan3A_236 = %convert_element_type3A_123, %scan3A_237 = %rem3A_141, %scan3A_238 = %convert_element_type3A_144, %scan3A_239 = %rem3A_162, %scan3A_240 = %convert_element_type3A_165) -> (i32, i32, i32, i32, i32, i32, i32, i32, i32, i32, i32, i32, i32, i32, i32, i32)  : i32 {
      %mul3A_241 = arith.constant 8 : i32
      %mul3A_242 = arith.muli %scan3A_224, %mul3A_241 : i32
      %dma_wait3A_243 = arith.constant 0 : i32
      %dma_wait3A_244 = arith.constant 0 : i32
      %dma_wait3A_245 = tpu.memref_slice %arg5[%dma_wait3A_243, %dma_wait3A_244] : memref<64x2048xf32, #tpu.memory_space<hbm>> -> memref<64x128xf32, #tpu.memory_space<hbm>>
      %dma_wait3A_246 = arith.constant 0 : i32
      %dma_wait3A_247 = arith.constant 0 : i32
      %dma_wait3A_248 = tpu.memref_slice %arg5[%dma_wait3A_246, %dma_wait3A_247] : memref<64x2048xf32, #tpu.memory_space<hbm>> -> memref<64x128xf32, #tpu.memory_space<hbm>>
      tpu.wait_dma2 semaphore(%arg19 : memref<!tpu.dma_semaphore, #tpu.memory_space<semaphore_mem>>) src(%dma_wait3A_248 : memref<64x128xf32, #tpu.memory_space<hbm>>) dst(%arg8 : memref<64x128xf32, #tpu.memory_space<vmem>>)
      %add3A_249 = arith.constant 0 : i32
      %add3A_250 = arith.addi %mul3A_242, %add3A_249 : i32
      %broadcast_in_dim3A_251 = vector.broadcast %scan3A_225 : i32 to vector<16xi32>
      %min3A_252 = arith.constant 63 : i32
      %min3A_253 = vector.broadcast %min3A_252 : i32 to vector<16xi32>
      %min3A_254 = arith.minsi %broadcast_in_dim3A_251, %min3A_253 : vector<16xi32>
      %broadcast_in_dim3A_255 = vector.broadcast %scan3A_226 : i32 to vector<16xi32>
      %eq3A = arith.constant 1 : i32
      %eq3A_256 = vector.broadcast %eq3A : i32 to vector<16xi32>
      %eq3A_257 = arith.cmpi eq, %broadcast_in_dim3A_255, %eq3A_256 : vector<16xi32>
      %broadcast_in_dim3A_258 = vector.broadcast %add3A_250 : i32 to vector<16xi32>
      %iota3A = tpu.iota {dimensions = array<i32: 0>} : vector<16xi32>
      %add3A_259 = arith.constant 0 : i32
      %add3A_260 = vector.broadcast %add3A_259 : i32 to vector<16xi32>
      %add3A_261 = arith.addi %iota3A, %add3A_260 : vector<16xi32>
      %gather3A_262 = tpu.vector_load_idx %arg8[%add3A_261, %broadcast_in_dim3A_251] : memref<64x128xf32, #tpu.memory_space<vmem>>[vector<16xi32>, vector<16xi32>], vector<16xf32>,
      %gather3A_263 = tpu.vector_load_idx %arg16[%add3A_261, %min3A_254] : memref<64x64xf32, #tpu.memory_space<vmem>>[vector<16xi32>, vector<16xi32>], vector<16xf32>,
      %select_n3A = arith.select %eq3A_257, %gather3A_263, %gather3A_262 : vector<16xi1>, vector<16xf32>
      tpu.vector_store_idx %arg17[%add3A_261, %broadcast_in_dim3A_258], %select_n3A : memref<64x256xf32, #tpu.memory_space<vmem>>[vector<16xi32>, vector<16xi32>], vector<16xf32>,
      %iota3A_264 = tpu.iota {dimensions = array<i32: 0>} : vector<16xi32>
      %add3A_265 = arith.constant 16 : i32
      %add3A_266 = vector.broadcast %add3A_265 : i32 to vector<16xi32>
      %add3A_267 = arith.addi %iota3A_264, %add3A_266 : vector<16xi32>
      %gather3A_268 = tpu.vector_load_idx %arg8[%add3A_267, %broadcast_in_dim3A_251] : memref<64x128xf32, #tpu.memory_space<vmem>>[vector<16xi32>, vector<16xi32>], vector<16xf32>,
      %gather3A_269 = tpu.vector_load_idx %arg16[%add3A_267, %min3A_254] : memref<64x64xf32, #tpu.memory_space<vmem>>[vector<16xi32>, vector<16xi32>], vector<16xf32>,
      %select_n3A_270 = arith.select %eq3A_257, %gather3A_269, %gather3A_268 : vector<16xi1>, vector<16xf32>
      tpu.vector_store_idx %arg17[%add3A_267, %broadcast_in_dim3A_258], %select_n3A_270 : memref<64x256xf32, #tpu.memory_space<vmem>>[vector<16xi32>, vector<16xi32>], vector<16xf32>,
      %iota3A_271 = tpu.iota {dimensions = array<i32: 0>} : vector<16xi32>
      %add3A_272 = arith.constant 32 : i32
      %add3A_273 = vector.broadcast %add3A_272 : i32 to vector<16xi32>
      %add3A_274 = arith.addi %iota3A_271, %add3A_273 : vector<16xi32>
      %gather3A_275 = tpu.vector_load_idx %arg8[%add3A_274, %broadcast_in_dim3A_251] : memref<64x128xf32, #tpu.memory_space<vmem>>[vector<16xi32>, vector<16xi32>], vector<16xf32>,
      %gather3A_276 = tpu.vector_load_idx %arg16[%add3A_274, %min3A_254] : memref<64x64xf32, #tpu.memory_space<vmem>>[vector<16xi32>, vector<16xi32>], vector<16xf32>,
      %select_n3A_277 = arith.select %eq3A_257, %gather3A_276, %gather3A_275 : vector<16xi1>, vector<16xf32>
      tpu.vector_store_idx %arg17[%add3A_274, %broadcast_in_dim3A_258], %select_n3A_277 : memref<64x256xf32, #tpu.memory_space<vmem>>[vector<16xi32>, vector<16xi32>], vector<16xf32>,
      %iota3A_278 = tpu.iota {dimensions = array<i32: 0>} : vector<16xi32>
      %add3A_279 = arith.constant 48 : i32
      %add3A_280 = vector.broadcast %add3A_279 : i32 to vector<16xi32>
      %add3A_281 = arith.addi %iota3A_278, %add3A_280 : vector<16xi32>
      %gather3A_282 = tpu.vector_load_idx %arg8[%add3A_281, %broadcast_in_dim3A_251] : memref<64x128xf32, #tpu.memory_space<vmem>>[vector<16xi32>, vector<16xi32>], vector<16xf32>,
      %gather3A_283 = tpu.vector_load_idx %arg16[%add3A_281, %min3A_254] : memref<64x64xf32, #tpu.memory_space<vmem>>[vector<16xi32>, vector<16xi32>], vector<16xf32>,
      %select_n3A_284 = arith.select %eq3A_257, %gather3A_283, %gather3A_282 : vector<16xi1>, vector<16xf32>
      tpu.vector_store_idx %arg17[%add3A_281, %broadcast_in_dim3A_258], %select_n3A_284 : memref<64x256xf32, #tpu.memory_space<vmem>>[vector<16xi32>, vector<16xi32>], vector<16xf32>,
      %add3A_285 = arith.constant 0 : i32
      %add3A_286 = arith.addi %mul3A_242, %add3A_285 : i32
      %add3A_287 = arith.constant 8 : i32
      %add3A_288 = arith.addi %add3A_286, %add3A_287 : i32
      %min3A_289 = arith.constant 255 : i32
      %min3A_290 = arith.minsi %add3A_288, %min3A_289 : i32
      %broadcast_in_dim3A_291 = vector.broadcast %min3A_290 : i32 to vector<16xi32>
      %gather3A_292 = tpu.vector_load_idx %arg7[%broadcast_in_dim3A_291] : memref<256xi32, #tpu.memory_space<vmem>>[vector<16xi32>], vector<16xi32>,
      %slice3A_293 = vector.extract_strided_slice %gather3A_292 {offsets = [0], sizes = [1], strides = [1]} : vector<16xi32> to vector<1xi32>
      %squeeze3A_294 = vector.extract %slice3A_293[0] : i32 from vector<1xi32>
      %shift_right_logical3A_295 = arith.constant 7 : i32
      %shift_right_logical3A_296 = arith.shrui %squeeze3A_294, %shift_right_logical3A_295 : i32
      %min3A_297 = arith.constant 7811 : i32
      %min3A_298 = arith.minsi %shift_right_logical3A_296, %min3A_297 : i32
      %mul3A_299 = arith.constant 128 : i32
      %mul3A_300 = arith.muli %min3A_298, %mul3A_299 : i32
      %multiple_of3A_301 = tpu.assume_multiple %mul3A_300, 128 : i32
      %dma_start3A_302 = arith.constant 0 : i32
      %dma_start3A_303 = tpu.memref_slice %arg3[%dma_start3A_302, %multiple_of3A_301] : memref<64x1000000xf32, #tpu.memory_space<hbm>> -> memref<64x128xf32, #tpu.memory_space<hbm>>
      %dma_start3A_304 = arith.constant 0 : i32
      %dma_start3A_305 = tpu.memref_slice %arg3[%dma_start3A_304, %multiple_of3A_301] : memref<64x1000000xf32, #tpu.memory_space<hbm>> -> memref<64x128xf32, #tpu.memory_space<hbm>>
      tpu.enqueue_dma source(%dma_start3A_305 : memref<64x128xf32, #tpu.memory_space<hbm>>) target(%arg8 : memref<64x128xf32, #tpu.memory_space<vmem>>) target_semaphore(%arg19 : memref<!tpu.dma_semaphore, #tpu.memory_space<semaphore_mem>>)
      %rem3A_306 = arith.constant 128 : i32
      %rem3A_307 = arith.remsi %squeeze3A_294, %rem3A_306 : i32
      %ge3A_308 = arith.constant 7812 : i32
      %ge3A_309 = arith.cmpi sge, %shift_right_logical3A_296, %ge3A_308 : i32
      %convert_element_type3A_310 = arith.extui %ge3A_309 : i1 to i32
      %dma_wait3A_311 = arith.constant 0 : i32
      %dma_wait3A_312 = arith.constant 0 : i32
      %dma_wait3A_313 = tpu.memref_slice %arg5[%dma_wait3A_311, %dma_wait3A_312] : memref<64x2048xf32, #tpu.memory_space<hbm>> -> memref<64x128xf32, #tpu.memory_space<hbm>>
      %dma_wait3A_314 = arith.constant 0 : i32
      %dma_wait3A_315 = arith.constant 0 : i32
      %dma_wait3A_316 = tpu.memref_slice %arg5[%dma_wait3A_314, %dma_wait3A_315] : memref<64x2048xf32, #tpu.memory_space<hbm>> -> memref<64x128xf32, #tpu.memory_space<hbm>>
      tpu.wait_dma2 semaphore(%arg20 : memref<!tpu.dma_semaphore, #tpu.memory_space<semaphore_mem>>) src(%dma_wait3A_316 : memref<64x128xf32, #tpu.memory_space<hbm>>) dst(%arg9 : memref<64x128xf32, #tpu.memory_space<vmem>>)
      %add3A_317 = arith.constant 1 : i32
      %add3A_318 = arith.addi %mul3A_242, %add3A_317 : i32
      %broadcast_in_dim3A_319 = vector.broadcast %scan3A_227 : i32 to vector<16xi32>
      %min3A_320 = arith.constant 63 : i32
      %min3A_321 = vector.broadcast %min3A_320 : i32 to vector<16xi32>
      %min3A_322 = arith.minsi %broadcast_in_dim3A_319, %min3A_321 : vector<16xi32>
      %broadcast_in_dim3A_323 = vector.broadcast %scan3A_228 : i32 to vector<16xi32>
      %eq3A_324 = arith.constant 1 : i32
      %eq3A_325 = vector.broadcast %eq3A_324 : i32 to vector<16xi32>
      %eq3A_326 = arith.cmpi eq, %broadcast_in_dim3A_323, %eq3A_325 : vector<16xi32>
      %broadcast_in_dim3A_327 = vector.broadcast %add3A_318 : i32 to vector<16xi32>
      %iota3A_328 = tpu.iota {dimensions = array<i32: 0>} : vector<16xi32>
      %add3A_329 = arith.constant 0 : i32
      %add3A_330 = vector.broadcast %add3A_329 : i32 to vector<16xi32>
      %add3A_331 = arith.addi %iota3A_328, %add3A_330 : vector<16xi32>
      %gather3A_332 = tpu.vector_load_idx %arg9[%add3A_331, %broadcast_in_dim3A_319] : memref<64x128xf32, #tpu.memory_space<vmem>>[vector<16xi32>, vector<16xi32>], vector<16xf32>,
      %gather3A_333 = tpu.vector_load_idx %arg16[%add3A_331, %min3A_322] : memref<64x64xf32, #tpu.memory_space<vmem>>[vector<16xi32>, vector<16xi32>], vector<16xf32>,
      %select_n3A_334 = arith.select %eq3A_326, %gather3A_333, %gather3A_332 : vector<16xi1>, vector<16xf32>
      tpu.vector_store_idx %arg17[%add3A_331, %broadcast_in_dim3A_327], %select_n3A_334 : memref<64x256xf32, #tpu.memory_space<vmem>>[vector<16xi32>, vector<16xi32>], vector<16xf32>,
      %iota3A_335 = tpu.iota {dimensions = array<i32: 0>} : vector<16xi32>
      %add3A_336 = arith.constant 16 : i32
      %add3A_337 = vector.broadcast %add3A_336 : i32 to vector<16xi32>
      %add3A_338 = arith.addi %iota3A_335, %add3A_337 : vector<16xi32>
      %gather3A_339 = tpu.vector_load_idx %arg9[%add3A_338, %broadcast_in_dim3A_319] : memref<64x128xf32, #tpu.memory_space<vmem>>[vector<16xi32>, vector<16xi32>], vector<16xf32>,
      %gather3A_340 = tpu.vector_load_idx %arg16[%add3A_338, %min3A_322] : memref<64x64xf32, #tpu.memory_space<vmem>>[vector<16xi32>, vector<16xi32>], vector<16xf32>,
      %select_n3A_341 = arith.select %eq3A_326, %gather3A_340, %gather3A_339 : vector<16xi1>, vector<16xf32>
      tpu.vector_store_idx %arg17[%add3A_338, %broadcast_in_dim3A_327], %select_n3A_341 : memref<64x256xf32, #tpu.memory_space<vmem>>[vector<16xi32>, vector<16xi32>], vector<16xf32>,
      %iota3A_342 = tpu.iota {dimensions = array<i32: 0>} : vector<16xi32>
      %add3A_343 = arith.constant 32 : i32
      %add3A_344 = vector.broadcast %add3A_343 : i32 to vector<16xi32>
      %add3A_345 = arith.addi %iota3A_342, %add3A_344 : vector<16xi32>
      %gather3A_346 = tpu.vector_load_idx %arg9[%add3A_345, %broadcast_in_dim3A_319] : memref<64x128xf32, #tpu.memory_space<vmem>>[vector<16xi32>, vector<16xi32>], vector<16xf32>,
      %gather3A_347 = tpu.vector_load_idx %arg16[%add3A_345, %min3A_322] : memref<64x64xf32, #tpu.memory_space<vmem>>[vector<16xi32>, vector<16xi32>], vector<16xf32>,
      %select_n3A_348 = arith.select %eq3A_326, %gather3A_347, %gather3A_346 : vector<16xi1>, vector<16xf32>
      tpu.vector_store_idx %arg17[%add3A_345, %broadcast_in_dim3A_327], %select_n3A_348 : memref<64x256xf32, #tpu.memory_space<vmem>>[vector<16xi32>, vector<16xi32>], vector<16xf32>,
      %iota3A_349 = tpu.iota {dimensions = array<i32: 0>} : vector<16xi32>
      %add3A_350 = arith.constant 48 : i32
      %add3A_351 = vector.broadcast %add3A_350 : i32 to vector<16xi32>
      %add3A_352 = arith.addi %iota3A_349, %add3A_351 : vector<16xi32>
      %gather3A_353 = tpu.vector_load_idx %arg9[%add3A_352, %broadcast_in_dim3A_319] : memref<64x128xf32, #tpu.memory_space<vmem>>[vector<16xi32>, vector<16xi32>], vector<16xf32>,
      %gather3A_354 = tpu.vector_load_idx %arg16[%add3A_352, %min3A_322] : memref<64x64xf32, #tpu.memory_space<vmem>>[vector<16xi32>, vector<16xi32>], vector<16xf32>,
      %select_n3A_355 = arith.select %eq3A_326, %gather3A_354, %gather3A_353 : vector<16xi1>, vector<16xf32>
      tpu.vector_store_idx %arg17[%add3A_352, %broadcast_in_dim3A_327], %select_n3A_355 : memref<64x256xf32, #tpu.memory_space<vmem>>[vector<16xi32>, vector<16xi32>], vector<16xf32>,
      %add3A_356 = arith.constant 1 : i32
      %add3A_357 = arith.addi %mul3A_242, %add3A_356 : i32
      %add3A_358 = arith.constant 8 : i32
      %add3A_359 = arith.addi %add3A_357, %add3A_358 : i32
      %min3A_360 = arith.constant 255 : i32
      %min3A_361 = arith.minsi %add3A_359, %min3A_360 : i32
      %broadcast_in_dim3A_362 = vector.broadcast %min3A_361 : i32 to vector<16xi32>
      %gather3A_363 = tpu.vector_load_idx %arg7[%broadcast_in_dim3A_362] : memref<256xi32, #tpu.memory_space<vmem>>[vector<16xi32>], vector<16xi32>,
      %slice3A_364 = vector.extract_strided_slice %gather3A_363 {offsets = [0], sizes = [1], strides = [1]} : vector<16xi32> to vector<1xi32>
      %squeeze3A_365 = vector.extract %slice3A_364[0] : i32 from vector<1xi32>
      %shift_right_logical3A_366 = arith.constant 7 : i32
      %shift_right_logical3A_367 = arith.shrui %squeeze3A_365, %shift_right_logical3A_366 : i32
      %min3A_368 = arith.constant 7811 : i32
      %min3A_369 = arith.minsi %shift_right_logical3A_367, %min3A_368 : i32
      %mul3A_370 = arith.constant 128 : i32
      %mul3A_371 = arith.muli %min3A_369, %mul3A_370 : i32
      %multiple_of3A_372 = tpu.assume_multiple %mul3A_371, 128 : i32
      %dma_start3A_373 = arith.constant 0 : i32
      %dma_start3A_374 = tpu.memref_slice %arg3[%dma_start3A_373, %multiple_of3A_372] : memref<64x1000000xf32, #tpu.memory_space<hbm>> -> memref<64x128xf32, #tpu.memory_space<hbm>>
      %dma_start3A_375 = arith.constant 0 : i32
      %dma_start3A_376 = tpu.memref_slice %arg3[%dma_start3A_375, %multiple_of3A_372] : memref<64x1000000xf32, #tpu.memory_space<hbm>> -> memref<64x128xf32, #tpu.memory_space<hbm>>
      tpu.enqueue_dma source(%dma_start3A_376 : memref<64x128xf32, #tpu.memory_space<hbm>>) target(%arg9 : memref<64x128xf32, #tpu.memory_space<vmem>>) target_semaphore(%arg20 : memref<!tpu.dma_semaphore, #tpu.memory_space<semaphore_mem>>)
      %rem3A_377 = arith.constant 128 : i32
      %rem3A_378 = arith.remsi %squeeze3A_365, %rem3A_377 : i32
      %ge3A_379 = arith.constant 7812 : i32
      %ge3A_380 = arith.cmpi sge, %shift_right_logical3A_367, %ge3A_379 : i32
      %convert_element_type3A_381 = arith.extui %ge3A_380 : i1 to i32
      %dma_wait3A_382 = arith.constant 0 : i32
      %dma_wait3A_383 = arith.constant 0 : i32
      %dma_wait3A_384 = tpu.memref_slice %arg5[%dma_wait3A_382, %dma_wait3A_383] : memref<64x2048xf32, #tpu.memory_space<hbm>> -> memref<64x128xf32, #tpu.memory_space<hbm>>
      %dma_wait3A_385 = arith.constant 0 : i32
      %dma_wait3A_386 = arith.constant 0 : i32
      %dma_wait3A_387 = tpu.memref_slice %arg5[%dma_wait3A_385, %dma_wait3A_386] : memref<64x2048xf32, #tpu.memory_space<hbm>> -> memref<64x128xf32, #tpu.memory_space<hbm>>
      tpu.wait_dma2 semaphore(%arg21 : memref<!tpu.dma_semaphore, #tpu.memory_space<semaphore_mem>>) src(%dma_wait3A_387 : memref<64x128xf32, #tpu.memory_space<hbm>>) dst(%arg10 : memref<64x128xf32, #tpu.memory_space<vmem>>)
      %add3A_388 = arith.constant 2 : i32
      %add3A_389 = arith.addi %mul3A_242, %add3A_388 : i32
      %broadcast_in_dim3A_390 = vector.broadcast %scan3A_229 : i32 to vector<16xi32>
      %min3A_391 = arith.constant 63 : i32
      %min3A_392 = vector.broadcast %min3A_391 : i32 to vector<16xi32>
      %min3A_393 = arith.minsi %broadcast_in_dim3A_390, %min3A_392 : vector<16xi32>
      %broadcast_in_dim3A_394 = vector.broadcast %scan3A_230 : i32 to vector<16xi32>
      %eq3A_395 = arith.constant 1 : i32
      %eq3A_396 = vector.broadcast %eq3A_395 : i32 to vector<16xi32>
      %eq3A_397 = arith.cmpi eq, %broadcast_in_dim3A_394, %eq3A_396 : vector<16xi32>
      %broadcast_in_dim3A_398 = vector.broadcast %add3A_389 : i32 to vector<16xi32>
      %iota3A_399 = tpu.iota {dimensions = array<i32: 0>} : vector<16xi32>
      %add3A_400 = arith.constant 0 : i32
      %add3A_401 = vector.broadcast %add3A_400 : i32 to vector<16xi32>
      %add3A_402 = arith.addi %iota3A_399, %add3A_401 : vector<16xi32>
      %gather3A_403 = tpu.vector_load_idx %arg10[%add3A_402, %broadcast_in_dim3A_390] : memref<64x128xf32, #tpu.memory_space<vmem>>[vector<16xi32>, vector<16xi32>], vector<16xf32>,
      %gather3A_404 = tpu.vector_load_idx %arg16[%add3A_402, %min3A_393] : memref<64x64xf32, #tpu.memory_space<vmem>>[vector<16xi32>, vector<16xi32>], vector<16xf32>,
      %select_n3A_405 = arith.select %eq3A_397, %gather3A_404, %gather3A_403 : vector<16xi1>, vector<16xf32>
      tpu.vector_store_idx %arg17[%add3A_402, %broadcast_in_dim3A_398], %select_n3A_405 : memref<64x256xf32, #tpu.memory_space<vmem>>[vector<16xi32>, vector<16xi32>], vector<16xf32>,
      %iota3A_406 = tpu.iota {dimensions = array<i32: 0>} : vector<16xi32>
      %add3A_407 = arith.constant 16 : i32
      %add3A_408 = vector.broadcast %add3A_407 : i32 to vector<16xi32>
      %add3A_409 = arith.addi %iota3A_406, %add3A_408 : vector<16xi32>
      %gather3A_410 = tpu.vector_load_idx %arg10[%add3A_409, %broadcast_in_dim3A_390] : memref<64x128xf32, #tpu.memory_space<vmem>>[vector<16xi32>, vector<16xi32>], vector<16xf32>,
      %gather3A_411 = tpu.vector_load_idx %arg16[%add3A_409, %min3A_393] : memref<64x64xf32, #tpu.memory_space<vmem>>[vector<16xi32>, vector<16xi32>], vector<16xf32>,
      %select_n3A_412 = arith.select %eq3A_397, %gather3A_411, %gather3A_410 : vector<16xi1>, vector<16xf32>
      tpu.vector_store_idx %arg17[%add3A_409, %broadcast_in_dim3A_398], %select_n3A_412 : memref<64x256xf32, #tpu.memory_space<vmem>>[vector<16xi32>, vector<16xi32>], vector<16xf32>,
      %iota3A_413 = tpu.iota {dimensions = array<i32: 0>} : vector<16xi32>
      %add3A_414 = arith.constant 32 : i32
      %add3A_415 = vector.broadcast %add3A_414 : i32 to vector<16xi32>
      %add3A_416 = arith.addi %iota3A_413, %add3A_415 : vector<16xi32>
      %gather3A_417 = tpu.vector_load_idx %arg10[%add3A_416, %broadcast_in_dim3A_390] : memref<64x128xf32, #tpu.memory_space<vmem>>[vector<16xi32>, vector<16xi32>], vector<16xf32>,
      %gather3A_418 = tpu.vector_load_idx %arg16[%add3A_416, %min3A_393] : memref<64x64xf32, #tpu.memory_space<vmem>>[vector<16xi32>, vector<16xi32>], vector<16xf32>,
      %select_n3A_419 = arith.select %eq3A_397, %gather3A_418, %gather3A_417 : vector<16xi1>, vector<16xf32>
      tpu.vector_store_idx %arg17[%add3A_416, %broadcast_in_dim3A_398], %select_n3A_419 : memref<64x256xf32, #tpu.memory_space<vmem>>[vector<16xi32>, vector<16xi32>], vector<16xf32>,
      %iota3A_420 = tpu.iota {dimensions = array<i32: 0>} : vector<16xi32>
      %add3A_421 = arith.constant 48 : i32
      %add3A_422 = vector.broadcast %add3A_421 : i32 to vector<16xi32>
      %add3A_423 = arith.addi %iota3A_420, %add3A_422 : vector<16xi32>
      %gather3A_424 = tpu.vector_load_idx %arg10[%add3A_423, %broadcast_in_dim3A_390] : memref<64x128xf32, #tpu.memory_space<vmem>>[vector<16xi32>, vector<16xi32>], vector<16xf32>,
      %gather3A_425 = tpu.vector_load_idx %arg16[%add3A_423, %min3A_393] : memref<64x64xf32, #tpu.memory_space<vmem>>[vector<16xi32>, vector<16xi32>], vector<16xf32>,
      %select_n3A_426 = arith.select %eq3A_397, %gather3A_425, %gather3A_424 : vector<16xi1>, vector<16xf32>
      tpu.vector_store_idx %arg17[%add3A_423, %broadcast_in_dim3A_398], %select_n3A_426 : memref<64x256xf32, #tpu.memory_space<vmem>>[vector<16xi32>, vector<16xi32>], vector<16xf32>,
      %add3A_427 = arith.constant 2 : i32
      %add3A_428 = arith.addi %mul3A_242, %add3A_427 : i32
      %add3A_429 = arith.constant 8 : i32
      %add3A_430 = arith.addi %add3A_428, %add3A_429 : i32
      %min3A_431 = arith.constant 255 : i32
      %min3A_432 = arith.minsi %add3A_430, %min3A_431 : i32
      %broadcast_in_dim3A_433 = vector.broadcast %min3A_432 : i32 to vector<16xi32>
      %gather3A_434 = tpu.vector_load_idx %arg7[%broadcast_in_dim3A_433] : memref<256xi32, #tpu.memory_space<vmem>>[vector<16xi32>], vector<16xi32>,
      %slice3A_435 = vector.extract_strided_slice %gather3A_434 {offsets = [0], sizes = [1], strides = [1]} : vector<16xi32> to vector<1xi32>
      %squeeze3A_436 = vector.extract %slice3A_435[0] : i32 from vector<1xi32>
      %shift_right_logical3A_437 = arith.constant 7 : i32
      %shift_right_logical3A_438 = arith.shrui %squeeze3A_436, %shift_right_logical3A_437 : i32
      %min3A_439 = arith.constant 7811 : i32
      %min3A_440 = arith.minsi %shift_right_logical3A_438, %min3A_439 : i32
      %mul3A_441 = arith.constant 128 : i32
      %mul3A_442 = arith.muli %min3A_440, %mul3A_441 : i32
      %multiple_of3A_443 = tpu.assume_multiple %mul3A_442, 128 : i32
      %dma_start3A_444 = arith.constant 0 : i32
      %dma_start3A_445 = tpu.memref_slice %arg3[%dma_start3A_444, %multiple_of3A_443] : memref<64x1000000xf32, #tpu.memory_space<hbm>> -> memref<64x128xf32, #tpu.memory_space<hbm>>
      %dma_start3A_446 = arith.constant 0 : i32
      %dma_start3A_447 = tpu.memref_slice %arg3[%dma_start3A_446, %multiple_of3A_443] : memref<64x1000000xf32, #tpu.memory_space<hbm>> -> memref<64x128xf32, #tpu.memory_space<hbm>>
      tpu.enqueue_dma source(%dma_start3A_447 : memref<64x128xf32, #tpu.memory_space<hbm>>) target(%arg10 : memref<64x128xf32, #tpu.memory_space<vmem>>) target_semaphore(%arg21 : memref<!tpu.dma_semaphore, #tpu.memory_space<semaphore_mem>>)
      %rem3A_448 = arith.constant 128 : i32
      %rem3A_449 = arith.remsi %squeeze3A_436, %rem3A_448 : i32
      %ge3A_450 = arith.constant 7812 : i32
      %ge3A_451 = arith.cmpi sge, %shift_right_logical3A_438, %ge3A_450 : i32
      %convert_element_type3A_452 = arith.extui %ge3A_451 : i1 to i32
      %dma_wait3A_453 = arith.constant 0 : i32
      %dma_wait3A_454 = arith.constant 0 : i32
      %dma_wait3A_455 = tpu.memref_slice %arg5[%dma_wait3A_453, %dma_wait3A_454] : memref<64x2048xf32, #tpu.memory_space<hbm>> -> memref<64x128xf32, #tpu.memory_space<hbm>>
      %dma_wait3A_456 = arith.constant 0 : i32
      %dma_wait3A_457 = arith.constant 0 : i32
      %dma_wait3A_458 = tpu.memref_slice %arg5[%dma_wait3A_456, %dma_wait3A_457] : memref<64x2048xf32, #tpu.memory_space<hbm>> -> memref<64x128xf32, #tpu.memory_space<hbm>>
      tpu.wait_dma2 semaphore(%arg22 : memref<!tpu.dma_semaphore, #tpu.memory_space<semaphore_mem>>) src(%dma_wait3A_458 : memref<64x128xf32, #tpu.memory_space<hbm>>) dst(%arg11 : memref<64x128xf32, #tpu.memory_space<vmem>>)
      %add3A_459 = arith.constant 3 : i32
      %add3A_460 = arith.addi %mul3A_242, %add3A_459 : i32
      %broadcast_in_dim3A_461 = vector.broadcast %scan3A_231 : i32 to vector<16xi32>
      %min3A_462 = arith.constant 63 : i32
      %min3A_463 = vector.broadcast %min3A_462 : i32 to vector<16xi32>
      %min3A_464 = arith.minsi %broadcast_in_dim3A_461, %min3A_463 : vector<16xi32>
      %broadcast_in_dim3A_465 = vector.broadcast %scan3A_232 : i32 to vector<16xi32>
      %eq3A_466 = arith.constant 1 : i32
      %eq3A_467 = vector.broadcast %eq3A_466 : i32 to vector<16xi32>
      %eq3A_468 = arith.cmpi eq, %broadcast_in_dim3A_465, %eq3A_467 : vector<16xi32>
      %broadcast_in_dim3A_469 = vector.broadcast %add3A_460 : i32 to vector<16xi32>
      %iota3A_470 = tpu.iota {dimensions = array<i32: 0>} : vector<16xi32>
      %add3A_471 = arith.constant 0 : i32
      %add3A_472 = vector.broadcast %add3A_471 : i32 to vector<16xi32>
      %add3A_473 = arith.addi %iota3A_470, %add3A_472 : vector<16xi32>
      %gather3A_474 = tpu.vector_load_idx %arg11[%add3A_473, %broadcast_in_dim3A_461] : memref<64x128xf32, #tpu.memory_space<vmem>>[vector<16xi32>, vector<16xi32>], vector<16xf32>,
      %gather3A_475 = tpu.vector_load_idx %arg16[%add3A_473, %min3A_464] : memref<64x64xf32, #tpu.memory_space<vmem>>[vector<16xi32>, vector<16xi32>], vector<16xf32>,
      %select_n3A_476 = arith.select %eq3A_468, %gather3A_475, %gather3A_474 : vector<16xi1>, vector<16xf32>
      tpu.vector_store_idx %arg17[%add3A_473, %broadcast_in_dim3A_469], %select_n3A_476 : memref<64x256xf32, #tpu.memory_space<vmem>>[vector<16xi32>, vector<16xi32>], vector<16xf32>,
      %iota3A_477 = tpu.iota {dimensions = array<i32: 0>} : vector<16xi32>
      %add3A_478 = arith.constant 16 : i32
      %add3A_479 = vector.broadcast %add3A_478 : i32 to vector<16xi32>
      %add3A_480 = arith.addi %iota3A_477, %add3A_479 : vector<16xi32>
      %gather3A_481 = tpu.vector_load_idx %arg11[%add3A_480, %broadcast_in_dim3A_461] : memref<64x128xf32, #tpu.memory_space<vmem>>[vector<16xi32>, vector<16xi32>], vector<16xf32>,
      %gather3A_482 = tpu.vector_load_idx %arg16[%add3A_480, %min3A_464] : memref<64x64xf32, #tpu.memory_space<vmem>>[vector<16xi32>, vector<16xi32>], vector<16xf32>,
      %select_n3A_483 = arith.select %eq3A_468, %gather3A_482, %gather3A_481 : vector<16xi1>, vector<16xf32>
      tpu.vector_store_idx %arg17[%add3A_480, %broadcast_in_dim3A_469], %select_n3A_483 : memref<64x256xf32, #tpu.memory_space<vmem>>[vector<16xi32>, vector<16xi32>], vector<16xf32>,
      %iota3A_484 = tpu.iota {dimensions = array<i32: 0>} : vector<16xi32>
      %add3A_485 = arith.constant 32 : i32
      %add3A_486 = vector.broadcast %add3A_485 : i32 to vector<16xi32>
      %add3A_487 = arith.addi %iota3A_484, %add3A_486 : vector<16xi32>
      %gather3A_488 = tpu.vector_load_idx %arg11[%add3A_487, %broadcast_in_dim3A_461] : memref<64x128xf32, #tpu.memory_space<vmem>>[vector<16xi32>, vector<16xi32>], vector<16xf32>,
      %gather3A_489 = tpu.vector_load_idx %arg16[%add3A_487, %min3A_464] : memref<64x64xf32, #tpu.memory_space<vmem>>[vector<16xi32>, vector<16xi32>], vector<16xf32>,
      %select_n3A_490 = arith.select %eq3A_468, %gather3A_489, %gather3A_488 : vector<16xi1>, vector<16xf32>
      tpu.vector_store_idx %arg17[%add3A_487, %broadcast_in_dim3A_469], %select_n3A_490 : memref<64x256xf32, #tpu.memory_space<vmem>>[vector<16xi32>, vector<16xi32>], vector<16xf32>,
      %iota3A_491 = tpu.iota {dimensions = array<i32: 0>} : vector<16xi32>
      %add3A_492 = arith.constant 48 : i32
      %add3A_493 = vector.broadcast %add3A_492 : i32 to vector<16xi32>
      %add3A_494 = arith.addi %iota3A_491, %add3A_493 : vector<16xi32>
      %gather3A_495 = tpu.vector_load_idx %arg11[%add3A_494, %broadcast_in_dim3A_461] : memref<64x128xf32, #tpu.memory_space<vmem>>[vector<16xi32>, vector<16xi32>], vector<16xf32>,
      %gather3A_496 = tpu.vector_load_idx %arg16[%add3A_494, %min3A_464] : memref<64x64xf32, #tpu.memory_space<vmem>>[vector<16xi32>, vector<16xi32>], vector<16xf32>,
      %select_n3A_497 = arith.select %eq3A_468, %gather3A_496, %gather3A_495 : vector<16xi1>, vector<16xf32>
      tpu.vector_store_idx %arg17[%add3A_494, %broadcast_in_dim3A_469], %select_n3A_497 : memref<64x256xf32, #tpu.memory_space<vmem>>[vector<16xi32>, vector<16xi32>], vector<16xf32>,
      %add3A_498 = arith.constant 3 : i32
      %add3A_499 = arith.addi %mul3A_242, %add3A_498 : i32
      %add3A_500 = arith.constant 8 : i32
      %add3A_501 = arith.addi %add3A_499, %add3A_500 : i32
      %min3A_502 = arith.constant 255 : i32
      %min3A_503 = arith.minsi %add3A_501, %min3A_502 : i32
      %broadcast_in_dim3A_504 = vector.broadcast %min3A_503 : i32 to vector<16xi32>
      %gather3A_505 = tpu.vector_load_idx %arg7[%broadcast_in_dim3A_504] : memref<256xi32, #tpu.memory_space<vmem>>[vector<16xi32>], vector<16xi32>,
      %slice3A_506 = vector.extract_strided_slice %gather3A_505 {offsets = [0], sizes = [1], strides = [1]} : vector<16xi32> to vector<1xi32>
      %squeeze3A_507 = vector.extract %slice3A_506[0] : i32 from vector<1xi32>
      %shift_right_logical3A_508 = arith.constant 7 : i32
      %shift_right_logical3A_509 = arith.shrui %squeeze3A_507, %shift_right_logical3A_508 : i32
      %min3A_510 = arith.constant 7811 : i32
      %min3A_511 = arith.minsi %shift_right_logical3A_509, %min3A_510 : i32
      %mul3A_512 = arith.constant 128 : i32
      %mul3A_513 = arith.muli %min3A_511, %mul3A_512 : i32
      %multiple_of3A_514 = tpu.assume_multiple %mul3A_513, 128 : i32
      %dma_start3A_515 = arith.constant 0 : i32
      %dma_start3A_516 = tpu.memref_slice %arg3[%dma_start3A_515, %multiple_of3A_514] : memref<64x1000000xf32, #tpu.memory_space<hbm>> -> memref<64x128xf32, #tpu.memory_space<hbm>>
      %dma_start3A_517 = arith.constant 0 : i32
      %dma_start3A_518 = tpu.memref_slice %arg3[%dma_start3A_517, %multiple_of3A_514] : memref<64x1000000xf32, #tpu.memory_space<hbm>> -> memref<64x128xf32, #tpu.memory_space<hbm>>
      tpu.enqueue_dma source(%dma_start3A_518 : memref<64x128xf32, #tpu.memory_space<hbm>>) target(%arg11 : memref<64x128xf32, #tpu.memory_space<vmem>>) target_semaphore(%arg22 : memref<!tpu.dma_semaphore, #tpu.memory_space<semaphore_mem>>)
      %rem3A_519 = arith.constant 128 : i32
      %rem3A_520 = arith.remsi %squeeze3A_507, %rem3A_519 : i32
      %ge3A_521 = arith.constant 7812 : i32
      %ge3A_522 = arith.cmpi sge, %shift_right_logical3A_509, %ge3A_521 : i32
      %convert_element_type3A_523 = arith.extui %ge3A_522 : i1 to i32
      %dma_wait3A_524 = arith.constant 0 : i32
      %dma_wait3A_525 = arith.constant 0 : i32
      %dma_wait3A_526 = tpu.memref_slice %arg5[%dma_wait3A_524, %dma_wait3A_525] : memref<64x2048xf32, #tpu.memory_space<hbm>> -> memref<64x128xf32, #tpu.memory_space<hbm>>
      %dma_wait3A_527 = arith.constant 0 : i32
      %dma_wait3A_528 = arith.constant 0 : i32
      %dma_wait3A_529 = tpu.memref_slice %arg5[%dma_wait3A_527, %dma_wait3A_528] : memref<64x2048xf32, #tpu.memory_space<hbm>> -> memref<64x128xf32, #tpu.memory_space<hbm>>
      tpu.wait_dma2 semaphore(%arg23 : memref<!tpu.dma_semaphore, #tpu.memory_space<semaphore_mem>>) src(%dma_wait3A_529 : memref<64x128xf32, #tpu.memory_space<hbm>>) dst(%arg12 : memref<64x128xf32, #tpu.memory_space<vmem>>)
      %add3A_530 = arith.constant 4 : i32
      %add3A_531 = arith.addi %mul3A_242, %add3A_530 : i32
      %broadcast_in_dim3A_532 = vector.broadcast %scan3A_233 : i32 to vector<16xi32>
      %min3A_533 = arith.constant 63 : i32
      %min3A_534 = vector.broadcast %min3A_533 : i32 to vector<16xi32>
      %min3A_535 = arith.minsi %broadcast_in_dim3A_532, %min3A_534 : vector<16xi32>
      %broadcast_in_dim3A_536 = vector.broadcast %scan3A_234 : i32 to vector<16xi32>
      %eq3A_537 = arith.constant 1 : i32
      %eq3A_538 = vector.broadcast %eq3A_537 : i32 to vector<16xi32>
      %eq3A_539 = arith.cmpi eq, %broadcast_in_dim3A_536, %eq3A_538 : vector<16xi32>
      %broadcast_in_dim3A_540 = vector.broadcast %add3A_531 : i32 to vector<16xi32>
      %iota3A_541 = tpu.iota {dimensions = array<i32: 0>} : vector<16xi32>
      %add3A_542 = arith.constant 0 : i32
      %add3A_543 = vector.broadcast %add3A_542 : i32 to vector<16xi32>
      %add3A_544 = arith.addi %iota3A_541, %add3A_543 : vector<16xi32>
      %gather3A_545 = tpu.vector_load_idx %arg12[%add3A_544, %broadcast_in_dim3A_532] : memref<64x128xf32, #tpu.memory_space<vmem>>[vector<16xi32>, vector<16xi32>], vector<16xf32>,
      %gather3A_546 = tpu.vector_load_idx %arg16[%add3A_544, %min3A_535] : memref<64x64xf32, #tpu.memory_space<vmem>>[vector<16xi32>, vector<16xi32>], vector<16xf32>,
      %select_n3A_547 = arith.select %eq3A_539, %gather3A_546, %gather3A_545 : vector<16xi1>, vector<16xf32>
      tpu.vector_store_idx %arg17[%add3A_544, %broadcast_in_dim3A_540], %select_n3A_547 : memref<64x256xf32, #tpu.memory_space<vmem>>[vector<16xi32>, vector<16xi32>], vector<16xf32>,
      %iota3A_548 = tpu.iota {dimensions = array<i32: 0>} : vector<16xi32>
      %add3A_549 = arith.constant 16 : i32
      %add3A_550 = vector.broadcast %add3A_549 : i32 to vector<16xi32>
      %add3A_551 = arith.addi %iota3A_548, %add3A_550 : vector<16xi32>
      %gather3A_552 = tpu.vector_load_idx %arg12[%add3A_551, %broadcast_in_dim3A_532] : memref<64x128xf32, #tpu.memory_space<vmem>>[vector<16xi32>, vector<16xi32>], vector<16xf32>,
      %gather3A_553 = tpu.vector_load_idx %arg16[%add3A_551, %min3A_535] : memref<64x64xf32, #tpu.memory_space<vmem>>[vector<16xi32>, vector<16xi32>], vector<16xf32>,
      %select_n3A_554 = arith.select %eq3A_539, %gather3A_553, %gather3A_552 : vector<16xi1>, vector<16xf32>
      tpu.vector_store_idx %arg17[%add3A_551, %broadcast_in_dim3A_540], %select_n3A_554 : memref<64x256xf32, #tpu.memory_space<vmem>>[vector<16xi32>, vector<16xi32>], vector<16xf32>,
      %iota3A_555 = tpu.iota {dimensions = array<i32: 0>} : vector<16xi32>
      %add3A_556 = arith.constant 32 : i32
      %add3A_557 = vector.broadcast %add3A_556 : i32 to vector<16xi32>
      %add3A_558 = arith.addi %iota3A_555, %add3A_557 : vector<16xi32>
      %gather3A_559 = tpu.vector_load_idx %arg12[%add3A_558, %broadcast_in_dim3A_532] : memref<64x128xf32, #tpu.memory_space<vmem>>[vector<16xi32>, vector<16xi32>], vector<16xf32>,
      %gather3A_560 = tpu.vector_load_idx %arg16[%add3A_558, %min3A_535] : memref<64x64xf32, #tpu.memory_space<vmem>>[vector<16xi32>, vector<16xi32>], vector<16xf32>,
      %select_n3A_561 = arith.select %eq3A_539, %gather3A_560, %gather3A_559 : vector<16xi1>, vector<16xf32>
      tpu.vector_store_idx %arg17[%add3A_558, %broadcast_in_dim3A_540], %select_n3A_561 : memref<64x256xf32, #tpu.memory_space<vmem>>[vector<16xi32>, vector<16xi32>], vector<16xf32>,
      %iota3A_562 = tpu.iota {dimensions = array<i32: 0>} : vector<16xi32>
      %add3A_563 = arith.constant 48 : i32
      %add3A_564 = vector.broadcast %add3A_563 : i32 to vector<16xi32>
      %add3A_565 = arith.addi %iota3A_562, %add3A_564 : vector<16xi32>
      %gather3A_566 = tpu.vector_load_idx %arg12[%add3A_565, %broadcast_in_dim3A_532] : memref<64x128xf32, #tpu.memory_space<vmem>>[vector<16xi32>, vector<16xi32>], vector<16xf32>,
      %gather3A_567 = tpu.vector_load_idx %arg16[%add3A_565, %min3A_535] : memref<64x64xf32, #tpu.memory_space<vmem>>[vector<16xi32>, vector<16xi32>], vector<16xf32>,
      %select_n3A_568 = arith.select %eq3A_539, %gather3A_567, %gather3A_566 : vector<16xi1>, vector<16xf32>
      tpu.vector_store_idx %arg17[%add3A_565, %broadcast_in_dim3A_540], %select_n3A_568 : memref<64x256xf32, #tpu.memory_space<vmem>>[vector<16xi32>, vector<16xi32>], vector<16xf32>,
      %add3A_569 = arith.constant 4 : i32
      %add3A_570 = arith.addi %mul3A_242, %add3A_569 : i32
      %add3A_571 = arith.constant 8 : i32
      %add3A_572 = arith.addi %add3A_570, %add3A_571 : i32
      %min3A_573 = arith.constant 255 : i32
      %min3A_574 = arith.minsi %add3A_572, %min3A_573 : i32
      %broadcast_in_dim3A_575 = vector.broadcast %min3A_574 : i32 to vector<16xi32>
      %gather3A_576 = tpu.vector_load_idx %arg7[%broadcast_in_dim3A_575] : memref<256xi32, #tpu.memory_space<vmem>>[vector<16xi32>], vector<16xi32>,
      %slice3A_577 = vector.extract_strided_slice %gather3A_576 {offsets = [0], sizes = [1], strides = [1]} : vector<16xi32> to vector<1xi32>
      %squeeze3A_578 = vector.extract %slice3A_577[0] : i32 from vector<1xi32>
      %shift_right_logical3A_579 = arith.constant 7 : i32
      %shift_right_logical3A_580 = arith.shrui %squeeze3A_578, %shift_right_logical3A_579 : i32
      %min3A_581 = arith.constant 7811 : i32
      %min3A_582 = arith.minsi %shift_right_logical3A_580, %min3A_581 : i32
      %mul3A_583 = arith.constant 128 : i32
      %mul3A_584 = arith.muli %min3A_582, %mul3A_583 : i32
      %multiple_of3A_585 = tpu.assume_multiple %mul3A_584, 128 : i32
      %dma_start3A_586 = arith.constant 0 : i32
      %dma_start3A_587 = tpu.memref_slice %arg3[%dma_start3A_586, %multiple_of3A_585] : memref<64x1000000xf32, #tpu.memory_space<hbm>> -> memref<64x128xf32, #tpu.memory_space<hbm>>
      %dma_start3A_588 = arith.constant 0 : i32
      %dma_start3A_589 = tpu.memref_slice %arg3[%dma_start3A_588, %multiple_of3A_585] : memref<64x1000000xf32, #tpu.memory_space<hbm>> -> memref<64x128xf32, #tpu.memory_space<hbm>>
      tpu.enqueue_dma source(%dma_start3A_589 : memref<64x128xf32, #tpu.memory_space<hbm>>) target(%arg12 : memref<64x128xf32, #tpu.memory_space<vmem>>) target_semaphore(%arg23 : memref<!tpu.dma_semaphore, #tpu.memory_space<semaphore_mem>>)
      %rem3A_590 = arith.constant 128 : i32
      %rem3A_591 = arith.remsi %squeeze3A_578, %rem3A_590 : i32
      %ge3A_592 = arith.constant 7812 : i32
      %ge3A_593 = arith.cmpi sge, %shift_right_logical3A_580, %ge3A_592 : i32
      %convert_element_type3A_594 = arith.extui %ge3A_593 : i1 to i32
      %dma_wait3A_595 = arith.constant 0 : i32
      %dma_wait3A_596 = arith.constant 0 : i32
      %dma_wait3A_597 = tpu.memref_slice %arg5[%dma_wait3A_595, %dma_wait3A_596] : memref<64x2048xf32, #tpu.memory_space<hbm>> -> memref<64x128xf32, #tpu.memory_space<hbm>>
      %dma_wait3A_598 = arith.constant 0 : i32
      %dma_wait3A_599 = arith.constant 0 : i32
      %dma_wait3A_600 = tpu.memref_slice %arg5[%dma_wait3A_598, %dma_wait3A_599] : memref<64x2048xf32, #tpu.memory_space<hbm>> -> memref<64x128xf32, #tpu.memory_space<hbm>>
      tpu.wait_dma2 semaphore(%arg24 : memref<!tpu.dma_semaphore, #tpu.memory_space<semaphore_mem>>) src(%dma_wait3A_600 : memref<64x128xf32, #tpu.memory_space<hbm>>) dst(%arg13 : memref<64x128xf32, #tpu.memory_space<vmem>>)
      %add3A_601 = arith.constant 5 : i32
      %add3A_602 = arith.addi %mul3A_242, %add3A_601 : i32
      %broadcast_in_dim3A_603 = vector.broadcast %scan3A_235 : i32 to vector<16xi32>
      %min3A_604 = arith.constant 63 : i32
      %min3A_605 = vector.broadcast %min3A_604 : i32 to vector<16xi32>
      %min3A_606 = arith.minsi %broadcast_in_dim3A_603, %min3A_605 : vector<16xi32>
      %broadcast_in_dim3A_607 = vector.broadcast %scan3A_236 : i32 to vector<16xi32>
      %eq3A_608 = arith.constant 1 : i32
      %eq3A_609 = vector.broadcast %eq3A_608 : i32 to vector<16xi32>
      %eq3A_610 = arith.cmpi eq, %broadcast_in_dim3A_607, %eq3A_609 : vector<16xi32>
      %broadcast_in_dim3A_611 = vector.broadcast %add3A_602 : i32 to vector<16xi32>
      %iota3A_612 = tpu.iota {dimensions = array<i32: 0>} : vector<16xi32>
      %add3A_613 = arith.constant 0 : i32
      %add3A_614 = vector.broadcast %add3A_613 : i32 to vector<16xi32>
      %add3A_615 = arith.addi %iota3A_612, %add3A_614 : vector<16xi32>
      %gather3A_616 = tpu.vector_load_idx %arg13[%add3A_615, %broadcast_in_dim3A_603] : memref<64x128xf32, #tpu.memory_space<vmem>>[vector<16xi32>, vector<16xi32>], vector<16xf32>,
      %gather3A_617 = tpu.vector_load_idx %arg16[%add3A_615, %min3A_606] : memref<64x64xf32, #tpu.memory_space<vmem>>[vector<16xi32>, vector<16xi32>], vector<16xf32>,
      %select_n3A_618 = arith.select %eq3A_610, %gather3A_617, %gather3A_616 : vector<16xi1>, vector<16xf32>
      tpu.vector_store_idx %arg17[%add3A_615, %broadcast_in_dim3A_611], %select_n3A_618 : memref<64x256xf32, #tpu.memory_space<vmem>>[vector<16xi32>, vector<16xi32>], vector<16xf32>,
      %iota3A_619 = tpu.iota {dimensions = array<i32: 0>} : vector<16xi32>
      %add3A_620 = arith.constant 16 : i32
      %add3A_621 = vector.broadcast %add3A_620 : i32 to vector<16xi32>
      %add3A_622 = arith.addi %iota3A_619, %add3A_621 : vector<16xi32>
      %gather3A_623 = tpu.vector_load_idx %arg13[%add3A_622, %broadcast_in_dim3A_603] : memref<64x128xf32, #tpu.memory_space<vmem>>[vector<16xi32>, vector<16xi32>], vector<16xf32>,
      %gather3A_624 = tpu.vector_load_idx %arg16[%add3A_622, %min3A_606] : memref<64x64xf32, #tpu.memory_space<vmem>>[vector<16xi32>, vector<16xi32>], vector<16xf32>,
      %select_n3A_625 = arith.select %eq3A_610, %gather3A_624, %gather3A_623 : vector<16xi1>, vector<16xf32>
      tpu.vector_store_idx %arg17[%add3A_622, %broadcast_in_dim3A_611], %select_n3A_625 : memref<64x256xf32, #tpu.memory_space<vmem>>[vector<16xi32>, vector<16xi32>], vector<16xf32>,
      %iota3A_626 = tpu.iota {dimensions = array<i32: 0>} : vector<16xi32>
      %add3A_627 = arith.constant 32 : i32
      %add3A_628 = vector.broadcast %add3A_627 : i32 to vector<16xi32>
      %add3A_629 = arith.addi %iota3A_626, %add3A_628 : vector<16xi32>
      %gather3A_630 = tpu.vector_load_idx %arg13[%add3A_629, %broadcast_in_dim3A_603] : memref<64x128xf32, #tpu.memory_space<vmem>>[vector<16xi32>, vector<16xi32>], vector<16xf32>,
      %gather3A_631 = tpu.vector_load_idx %arg16[%add3A_629, %min3A_606] : memref<64x64xf32, #tpu.memory_space<vmem>>[vector<16xi32>, vector<16xi32>], vector<16xf32>,
      %select_n3A_632 = arith.select %eq3A_610, %gather3A_631, %gather3A_630 : vector<16xi1>, vector<16xf32>
      tpu.vector_store_idx %arg17[%add3A_629, %broadcast_in_dim3A_611], %select_n3A_632 : memref<64x256xf32, #tpu.memory_space<vmem>>[vector<16xi32>, vector<16xi32>], vector<16xf32>,
      %iota3A_633 = tpu.iota {dimensions = array<i32: 0>} : vector<16xi32>
      %add3A_634 = arith.constant 48 : i32
      %add3A_635 = vector.broadcast %add3A_634 : i32 to vector<16xi32>
      %add3A_636 = arith.addi %iota3A_633, %add3A_635 : vector<16xi32>
      %gather3A_637 = tpu.vector_load_idx %arg13[%add3A_636, %broadcast_in_dim3A_603] : memref<64x128xf32, #tpu.memory_space<vmem>>[vector<16xi32>, vector<16xi32>], vector<16xf32>,
      %gather3A_638 = tpu.vector_load_idx %arg16[%add3A_636, %min3A_606] : memref<64x64xf32, #tpu.memory_space<vmem>>[vector<16xi32>, vector<16xi32>], vector<16xf32>,
      %select_n3A_639 = arith.select %eq3A_610, %gather3A_638, %gather3A_637 : vector<16xi1>, vector<16xf32>
      tpu.vector_store_idx %arg17[%add3A_636, %broadcast_in_dim3A_611], %select_n3A_639 : memref<64x256xf32, #tpu.memory_space<vmem>>[vector<16xi32>, vector<16xi32>], vector<16xf32>,
      %add3A_640 = arith.constant 5 : i32
      %add3A_641 = arith.addi %mul3A_242, %add3A_640 : i32
      %add3A_642 = arith.constant 8 : i32
      %add3A_643 = arith.addi %add3A_641, %add3A_642 : i32
      %min3A_644 = arith.constant 255 : i32
      %min3A_645 = arith.minsi %add3A_643, %min3A_644 : i32
      %broadcast_in_dim3A_646 = vector.broadcast %min3A_645 : i32 to vector<16xi32>
      %gather3A_647 = tpu.vector_load_idx %arg7[%broadcast_in_dim3A_646] : memref<256xi32, #tpu.memory_space<vmem>>[vector<16xi32>], vector<16xi32>,
      %slice3A_648 = vector.extract_strided_slice %gather3A_647 {offsets = [0], sizes = [1], strides = [1]} : vector<16xi32> to vector<1xi32>
      %squeeze3A_649 = vector.extract %slice3A_648[0] : i32 from vector<1xi32>
      %shift_right_logical3A_650 = arith.constant 7 : i32
      %shift_right_logical3A_651 = arith.shrui %squeeze3A_649, %shift_right_logical3A_650 : i32
      %min3A_652 = arith.constant 7811 : i32
      %min3A_653 = arith.minsi %shift_right_logical3A_651, %min3A_652 : i32
      %mul3A_654 = arith.constant 128 : i32
      %mul3A_655 = arith.muli %min3A_653, %mul3A_654 : i32
      %multiple_of3A_656 = tpu.assume_multiple %mul3A_655, 128 : i32
      %dma_start3A_657 = arith.constant 0 : i32
      %dma_start3A_658 = tpu.memref_slice %arg3[%dma_start3A_657, %multiple_of3A_656] : memref<64x1000000xf32, #tpu.memory_space<hbm>> -> memref<64x128xf32, #tpu.memory_space<hbm>>
      %dma_start3A_659 = arith.constant 0 : i32
      %dma_start3A_660 = tpu.memref_slice %arg3[%dma_start3A_659, %multiple_of3A_656] : memref<64x1000000xf32, #tpu.memory_space<hbm>> -> memref<64x128xf32, #tpu.memory_space<hbm>>
      tpu.enqueue_dma source(%dma_start3A_660 : memref<64x128xf32, #tpu.memory_space<hbm>>) target(%arg13 : memref<64x128xf32, #tpu.memory_space<vmem>>) target_semaphore(%arg24 : memref<!tpu.dma_semaphore, #tpu.memory_space<semaphore_mem>>)
      %rem3A_661 = arith.constant 128 : i32
      %rem3A_662 = arith.remsi %squeeze3A_649, %rem3A_661 : i32
      %ge3A_663 = arith.constant 7812 : i32
      %ge3A_664 = arith.cmpi sge, %shift_right_logical3A_651, %ge3A_663 : i32
      %convert_element_type3A_665 = arith.extui %ge3A_664 : i1 to i32
      %dma_wait3A_666 = arith.constant 0 : i32
      %dma_wait3A_667 = arith.constant 0 : i32
      %dma_wait3A_668 = tpu.memref_slice %arg5[%dma_wait3A_666, %dma_wait3A_667] : memref<64x2048xf32, #tpu.memory_space<hbm>> -> memref<64x128xf32, #tpu.memory_space<hbm>>
      %dma_wait3A_669 = arith.constant 0 : i32
      %dma_wait3A_670 = arith.constant 0 : i32
      %dma_wait3A_671 = tpu.memref_slice %arg5[%dma_wait3A_669, %dma_wait3A_670] : memref<64x2048xf32, #tpu.memory_space<hbm>> -> memref<64x128xf32, #tpu.memory_space<hbm>>
      tpu.wait_dma2 semaphore(%arg25 : memref<!tpu.dma_semaphore, #tpu.memory_space<semaphore_mem>>) src(%dma_wait3A_671 : memref<64x128xf32, #tpu.memory_space<hbm>>) dst(%arg14 : memref<64x128xf32, #tpu.memory_space<vmem>>)
      %add3A_672 = arith.constant 6 : i32
      %add3A_673 = arith.addi %mul3A_242, %add3A_672 : i32
      %broadcast_in_dim3A_674 = vector.broadcast %scan3A_237 : i32 to vector<16xi32>
      %min3A_675 = arith.constant 63 : i32
      %min3A_676 = vector.broadcast %min3A_675 : i32 to vector<16xi32>
      %min3A_677 = arith.minsi %broadcast_in_dim3A_674, %min3A_676 : vector<16xi32>
      %broadcast_in_dim3A_678 = vector.broadcast %scan3A_238 : i32 to vector<16xi32>
      %eq3A_679 = arith.constant 1 : i32
      %eq3A_680 = vector.broadcast %eq3A_679 : i32 to vector<16xi32>
      %eq3A_681 = arith.cmpi eq, %broadcast_in_dim3A_678, %eq3A_680 : vector<16xi32>
      %broadcast_in_dim3A_682 = vector.broadcast %add3A_673 : i32 to vector<16xi32>
      %iota3A_683 = tpu.iota {dimensions = array<i32: 0>} : vector<16xi32>
      %add3A_684 = arith.constant 0 : i32
      %add3A_685 = vector.broadcast %add3A_684 : i32 to vector<16xi32>
      %add3A_686 = arith.addi %iota3A_683, %add3A_685 : vector<16xi32>
      %gather3A_687 = tpu.vector_load_idx %arg14[%add3A_686, %broadcast_in_dim3A_674] : memref<64x128xf32, #tpu.memory_space<vmem>>[vector<16xi32>, vector<16xi32>], vector<16xf32>,
      %gather3A_688 = tpu.vector_load_idx %arg16[%add3A_686, %min3A_677] : memref<64x64xf32, #tpu.memory_space<vmem>>[vector<16xi32>, vector<16xi32>], vector<16xf32>,
      %select_n3A_689 = arith.select %eq3A_681, %gather3A_688, %gather3A_687 : vector<16xi1>, vector<16xf32>
      tpu.vector_store_idx %arg17[%add3A_686, %broadcast_in_dim3A_682], %select_n3A_689 : memref<64x256xf32, #tpu.memory_space<vmem>>[vector<16xi32>, vector<16xi32>], vector<16xf32>,
      %iota3A_690 = tpu.iota {dimensions = array<i32: 0>} : vector<16xi32>
      %add3A_691 = arith.constant 16 : i32
      %add3A_692 = vector.broadcast %add3A_691 : i32 to vector<16xi32>
      %add3A_693 = arith.addi %iota3A_690, %add3A_692 : vector<16xi32>
      %gather3A_694 = tpu.vector_load_idx %arg14[%add3A_693, %broadcast_in_dim3A_674] : memref<64x128xf32, #tpu.memory_space<vmem>>[vector<16xi32>, vector<16xi32>], vector<16xf32>,
      %gather3A_695 = tpu.vector_load_idx %arg16[%add3A_693, %min3A_677] : memref<64x64xf32, #tpu.memory_space<vmem>>[vector<16xi32>, vector<16xi32>], vector<16xf32>,
      %select_n3A_696 = arith.select %eq3A_681, %gather3A_695, %gather3A_694 : vector<16xi1>, vector<16xf32>
      tpu.vector_store_idx %arg17[%add3A_693, %broadcast_in_dim3A_682], %select_n3A_696 : memref<64x256xf32, #tpu.memory_space<vmem>>[vector<16xi32>, vector<16xi32>], vector<16xf32>,
      %iota3A_697 = tpu.iota {dimensions = array<i32: 0>} : vector<16xi32>
      %add3A_698 = arith.constant 32 : i32
      %add3A_699 = vector.broadcast %add3A_698 : i32 to vector<16xi32>
      %add3A_700 = arith.addi %iota3A_697, %add3A_699 : vector<16xi32>
      %gather3A_701 = tpu.vector_load_idx %arg14[%add3A_700, %broadcast_in_dim3A_674] : memref<64x128xf32, #tpu.memory_space<vmem>>[vector<16xi32>, vector<16xi32>], vector<16xf32>,
      %gather3A_702 = tpu.vector_load_idx %arg16[%add3A_700, %min3A_677] : memref<64x64xf32, #tpu.memory_space<vmem>>[vector<16xi32>, vector<16xi32>], vector<16xf32>,
      %select_n3A_703 = arith.select %eq3A_681, %gather3A_702, %gather3A_701 : vector<16xi1>, vector<16xf32>
      tpu.vector_store_idx %arg17[%add3A_700, %broadcast_in_dim3A_682], %select_n3A_703 : memref<64x256xf32, #tpu.memory_space<vmem>>[vector<16xi32>, vector<16xi32>], vector<16xf32>,
      %iota3A_704 = tpu.iota {dimensions = array<i32: 0>} : vector<16xi32>
      %add3A_705 = arith.constant 48 : i32
      %add3A_706 = vector.broadcast %add3A_705 : i32 to vector<16xi32>
      %add3A_707 = arith.addi %iota3A_704, %add3A_706 : vector<16xi32>
      %gather3A_708 = tpu.vector_load_idx %arg14[%add3A_707, %broadcast_in_dim3A_674] : memref<64x128xf32, #tpu.memory_space<vmem>>[vector<16xi32>, vector<16xi32>], vector<16xf32>,
      %gather3A_709 = tpu.vector_load_idx %arg16[%add3A_707, %min3A_677] : memref<64x64xf32, #tpu.memory_space<vmem>>[vector<16xi32>, vector<16xi32>], vector<16xf32>,
      %select_n3A_710 = arith.select %eq3A_681, %gather3A_709, %gather3A_708 : vector<16xi1>, vector<16xf32>
      tpu.vector_store_idx %arg17[%add3A_707, %broadcast_in_dim3A_682], %select_n3A_710 : memref<64x256xf32, #tpu.memory_space<vmem>>[vector<16xi32>, vector<16xi32>], vector<16xf32>,
      %add3A_711 = arith.constant 6 : i32
      %add3A_712 = arith.addi %mul3A_242, %add3A_711 : i32
      %add3A_713 = arith.constant 8 : i32
      %add3A_714 = arith.addi %add3A_712, %add3A_713 : i32
      %min3A_715 = arith.constant 255 : i32
      %min3A_716 = arith.minsi %add3A_714, %min3A_715 : i32
      %broadcast_in_dim3A_717 = vector.broadcast %min3A_716 : i32 to vector<16xi32>
      %gather3A_718 = tpu.vector_load_idx %arg7[%broadcast_in_dim3A_717] : memref<256xi32, #tpu.memory_space<vmem>>[vector<16xi32>], vector<16xi32>,
      %slice3A_719 = vector.extract_strided_slice %gather3A_718 {offsets = [0], sizes = [1], strides = [1]} : vector<16xi32> to vector<1xi32>
      %squeeze3A_720 = vector.extract %slice3A_719[0] : i32 from vector<1xi32>
      %shift_right_logical3A_721 = arith.constant 7 : i32
      %shift_right_logical3A_722 = arith.shrui %squeeze3A_720, %shift_right_logical3A_721 : i32
      %min3A_723 = arith.constant 7811 : i32
      %min3A_724 = arith.minsi %shift_right_logical3A_722, %min3A_723 : i32
      %mul3A_725 = arith.constant 128 : i32
      %mul3A_726 = arith.muli %min3A_724, %mul3A_725 : i32
      %multiple_of3A_727 = tpu.assume_multiple %mul3A_726, 128 : i32
      %dma_start3A_728 = arith.constant 0 : i32
      %dma_start3A_729 = tpu.memref_slice %arg3[%dma_start3A_728, %multiple_of3A_727] : memref<64x1000000xf32, #tpu.memory_space<hbm>> -> memref<64x128xf32, #tpu.memory_space<hbm>>
      %dma_start3A_730 = arith.constant 0 : i32
      %dma_start3A_731 = tpu.memref_slice %arg3[%dma_start3A_730, %multiple_of3A_727] : memref<64x1000000xf32, #tpu.memory_space<hbm>> -> memref<64x128xf32, #tpu.memory_space<hbm>>
      tpu.enqueue_dma source(%dma_start3A_731 : memref<64x128xf32, #tpu.memory_space<hbm>>) target(%arg14 : memref<64x128xf32, #tpu.memory_space<vmem>>) target_semaphore(%arg25 : memref<!tpu.dma_semaphore, #tpu.memory_space<semaphore_mem>>)
      %rem3A_732 = arith.constant 128 : i32
      %rem3A_733 = arith.remsi %squeeze3A_720, %rem3A_732 : i32
      %ge3A_734 = arith.constant 7812 : i32
      %ge3A_735 = arith.cmpi sge, %shift_right_logical3A_722, %ge3A_734 : i32
      %convert_element_type3A_736 = arith.extui %ge3A_735 : i1 to i32
      %dma_wait3A_737 = arith.constant 0 : i32
      %dma_wait3A_738 = arith.constant 0 : i32
      %dma_wait3A_739 = tpu.memref_slice %arg5[%dma_wait3A_737, %dma_wait3A_738] : memref<64x2048xf32, #tpu.memory_space<hbm>> -> memref<64x128xf32, #tpu.memory_space<hbm>>
      %dma_wait3A_740 = arith.constant 0 : i32
      %dma_wait3A_741 = arith.constant 0 : i32
      %dma_wait3A_742 = tpu.memref_slice %arg5[%dma_wait3A_740, %dma_wait3A_741] : memref<64x2048xf32, #tpu.memory_space<hbm>> -> memref<64x128xf32, #tpu.memory_space<hbm>>
      tpu.wait_dma2 semaphore(%arg26 : memref<!tpu.dma_semaphore, #tpu.memory_space<semaphore_mem>>) src(%dma_wait3A_742 : memref<64x128xf32, #tpu.memory_space<hbm>>) dst(%arg15 : memref<64x128xf32, #tpu.memory_space<vmem>>)
      %add3A_743 = arith.constant 7 : i32
      %add3A_744 = arith.addi %mul3A_242, %add3A_743 : i32
      %broadcast_in_dim3A_745 = vector.broadcast %scan3A_239 : i32 to vector<16xi32>
      %min3A_746 = arith.constant 63 : i32
      %min3A_747 = vector.broadcast %min3A_746 : i32 to vector<16xi32>
      %min3A_748 = arith.minsi %broadcast_in_dim3A_745, %min3A_747 : vector<16xi32>
      %broadcast_in_dim3A_749 = vector.broadcast %scan3A_240 : i32 to vector<16xi32>
      %eq3A_750 = arith.constant 1 : i32
      %eq3A_751 = vector.broadcast %eq3A_750 : i32 to vector<16xi32>
      %eq3A_752 = arith.cmpi eq, %broadcast_in_dim3A_749, %eq3A_751 : vector<16xi32>
      %broadcast_in_dim3A_753 = vector.broadcast %add3A_744 : i32 to vector<16xi32>
      %iota3A_754 = tpu.iota {dimensions = array<i32: 0>} : vector<16xi32>
      %add3A_755 = arith.constant 0 : i32
      %add3A_756 = vector.broadcast %add3A_755 : i32 to vector<16xi32>
      %add3A_757 = arith.addi %iota3A_754, %add3A_756 : vector<16xi32>
      %gather3A_758 = tpu.vector_load_idx %arg15[%add3A_757, %broadcast_in_dim3A_745] : memref<64x128xf32, #tpu.memory_space<vmem>>[vector<16xi32>, vector<16xi32>], vector<16xf32>,
      %gather3A_759 = tpu.vector_load_idx %arg16[%add3A_757, %min3A_748] : memref<64x64xf32, #tpu.memory_space<vmem>>[vector<16xi32>, vector<16xi32>], vector<16xf32>,
      %select_n3A_760 = arith.select %eq3A_752, %gather3A_759, %gather3A_758 : vector<16xi1>, vector<16xf32>
      tpu.vector_store_idx %arg17[%add3A_757, %broadcast_in_dim3A_753], %select_n3A_760 : memref<64x256xf32, #tpu.memory_space<vmem>>[vector<16xi32>, vector<16xi32>], vector<16xf32>,
      %iota3A_761 = tpu.iota {dimensions = array<i32: 0>} : vector<16xi32>
      %add3A_762 = arith.constant 16 : i32
      %add3A_763 = vector.broadcast %add3A_762 : i32 to vector<16xi32>
      %add3A_764 = arith.addi %iota3A_761, %add3A_763 : vector<16xi32>
      %gather3A_765 = tpu.vector_load_idx %arg15[%add3A_764, %broadcast_in_dim3A_745] : memref<64x128xf32, #tpu.memory_space<vmem>>[vector<16xi32>, vector<16xi32>], vector<16xf32>,
      %gather3A_766 = tpu.vector_load_idx %arg16[%add3A_764, %min3A_748] : memref<64x64xf32, #tpu.memory_space<vmem>>[vector<16xi32>, vector<16xi32>], vector<16xf32>,
      %select_n3A_767 = arith.select %eq3A_752, %gather3A_766, %gather3A_765 : vector<16xi1>, vector<16xf32>
      tpu.vector_store_idx %arg17[%add3A_764, %broadcast_in_dim3A_753], %select_n3A_767 : memref<64x256xf32, #tpu.memory_space<vmem>>[vector<16xi32>, vector<16xi32>], vector<16xf32>,
      %iota3A_768 = tpu.iota {dimensions = array<i32: 0>} : vector<16xi32>
      %add3A_769 = arith.constant 32 : i32
      %add3A_770 = vector.broadcast %add3A_769 : i32 to vector<16xi32>
      %add3A_771 = arith.addi %iota3A_768, %add3A_770 : vector<16xi32>
      %gather3A_772 = tpu.vector_load_idx %arg15[%add3A_771, %broadcast_in_dim3A_745] : memref<64x128xf32, #tpu.memory_space<vmem>>[vector<16xi32>, vector<16xi32>], vector<16xf32>,
      %gather3A_773 = tpu.vector_load_idx %arg16[%add3A_771, %min3A_748] : memref<64x64xf32, #tpu.memory_space<vmem>>[vector<16xi32>, vector<16xi32>], vector<16xf32>,
      %select_n3A_774 = arith.select %eq3A_752, %gather3A_773, %gather3A_772 : vector<16xi1>, vector<16xf32>
      tpu.vector_store_idx %arg17[%add3A_771, %broadcast_in_dim3A_753], %select_n3A_774 : memref<64x256xf32, #tpu.memory_space<vmem>>[vector<16xi32>, vector<16xi32>], vector<16xf32>,
      %iota3A_775 = tpu.iota {dimensions = array<i32: 0>} : vector<16xi32>
      %add3A_776 = arith.constant 48 : i32
      %add3A_777 = vector.broadcast %add3A_776 : i32 to vector<16xi32>
      %add3A_778 = arith.addi %iota3A_775, %add3A_777 : vector<16xi32>
      %gather3A_779 = tpu.vector_load_idx %arg15[%add3A_778, %broadcast_in_dim3A_745] : memref<64x128xf32, #tpu.memory_space<vmem>>[vector<16xi32>, vector<16xi32>], vector<16xf32>,
      %gather3A_780 = tpu.vector_load_idx %arg16[%add3A_778, %min3A_748] : memref<64x64xf32, #tpu.memory_space<vmem>>[vector<16xi32>, vector<16xi32>], vector<16xf32>,
      %select_n3A_781 = arith.select %eq3A_752, %gather3A_780, %gather3A_779 : vector<16xi1>, vector<16xf32>
      tpu.vector_store_idx %arg17[%add3A_778, %broadcast_in_dim3A_753], %select_n3A_781 : memref<64x256xf32, #tpu.memory_space<vmem>>[vector<16xi32>, vector<16xi32>], vector<16xf32>,
      %add3A_782 = arith.constant 7 : i32
      %add3A_783 = arith.addi %mul3A_242, %add3A_782 : i32
      %add3A_784 = arith.constant 8 : i32
      %add3A_785 = arith.addi %add3A_783, %add3A_784 : i32
      %min3A_786 = arith.constant 255 : i32
      %min3A_787 = arith.minsi %add3A_785, %min3A_786 : i32
      %broadcast_in_dim3A_788 = vector.broadcast %min3A_787 : i32 to vector<16xi32>
      %gather3A_789 = tpu.vector_load_idx %arg7[%broadcast_in_dim3A_788] : memref<256xi32, #tpu.memory_space<vmem>>[vector<16xi32>], vector<16xi32>,
      %slice3A_790 = vector.extract_strided_slice %gather3A_789 {offsets = [0], sizes = [1], strides = [1]} : vector<16xi32> to vector<1xi32>
      %squeeze3A_791 = vector.extract %slice3A_790[0] : i32 from vector<1xi32>
      %shift_right_logical3A_792 = arith.constant 7 : i32
      %shift_right_logical3A_793 = arith.shrui %squeeze3A_791, %shift_right_logical3A_792 : i32
      %min3A_794 = arith.constant 7811 : i32
      %min3A_795 = arith.minsi %shift_right_logical3A_793, %min3A_794 : i32
      %mul3A_796 = arith.constant 128 : i32
      %mul3A_797 = arith.muli %min3A_795, %mul3A_796 : i32
      %multiple_of3A_798 = tpu.assume_multiple %mul3A_797, 128 : i32
      %dma_start3A_799 = arith.constant 0 : i32
      %dma_start3A_800 = tpu.memref_slice %arg3[%dma_start3A_799, %multiple_of3A_798] : memref<64x1000000xf32, #tpu.memory_space<hbm>> -> memref<64x128xf32, #tpu.memory_space<hbm>>
      %dma_start3A_801 = arith.constant 0 : i32
      %dma_start3A_802 = tpu.memref_slice %arg3[%dma_start3A_801, %multiple_of3A_798] : memref<64x1000000xf32, #tpu.memory_space<hbm>> -> memref<64x128xf32, #tpu.memory_space<hbm>>
      tpu.enqueue_dma source(%dma_start3A_802 : memref<64x128xf32, #tpu.memory_space<hbm>>) target(%arg15 : memref<64x128xf32, #tpu.memory_space<vmem>>) target_semaphore(%arg26 : memref<!tpu.dma_semaphore, #tpu.memory_space<semaphore_mem>>)
      %rem3A_803 = arith.constant 128 : i32
      %rem3A_804 = arith.remsi %squeeze3A_791, %rem3A_803 : i32
      %ge3A_805 = arith.constant 7812 : i32
      %ge3A_806 = arith.cmpi sge, %shift_right_logical3A_793, %ge3A_805 : i32
      %convert_element_type3A_807 = arith.extui %ge3A_806 : i1 to i32
      scf.yield %rem3A_307, %convert_element_type3A_310, %rem3A_378, %convert_element_type3A_381, %rem3A_449, %convert_element_type3A_452, %rem3A_520, %convert_element_type3A_523, %rem3A_591, %convert_element_type3A_594, %rem3A_662, %convert_element_type3A_665, %rem3A_733, %convert_element_type3A_736, %rem3A_804, %convert_element_type3A_807 : i32, i32, i32, i32, i32, i32, i32, i32, i32, i32, i32, i32, i32, i32, i32, i32
    }
    %scan3A_170 = arith.constant 32 : i32
    %dma_wait3A = arith.constant 0 : i32
    %dma_wait3A_171 = arith.constant 0 : i32
    %dma_wait3A_172 = tpu.memref_slice %arg5[%dma_wait3A, %dma_wait3A_171] : memref<64x2048xf32, #tpu.memory_space<hbm>> -> memref<64x128xf32, #tpu.memory_space<hbm>>
    %dma_wait3A_173 = arith.constant 0 : i32
    %dma_wait3A_174 = arith.constant 0 : i32
    %dma_wait3A_175 = tpu.memref_slice %arg5[%dma_wait3A_173, %dma_wait3A_174] : memref<64x2048xf32, #tpu.memory_space<hbm>> -> memref<64x128xf32, #tpu.memory_space<hbm>>
    tpu.wait_dma2 semaphore(%arg19 : memref<!tpu.dma_semaphore, #tpu.memory_space<semaphore_mem>>) src(%dma_wait3A_175 : memref<64x128xf32, #tpu.memory_space<hbm>>) dst(%arg8 : memref<64x128xf32, #tpu.memory_space<vmem>>)
    %dma_wait3A_176 = arith.constant 0 : i32
    %dma_wait3A_177 = arith.constant 0 : i32
    %dma_wait3A_178 = tpu.memref_slice %arg5[%dma_wait3A_176, %dma_wait3A_177] : memref<64x2048xf32, #tpu.memory_space<hbm>> -> memref<64x128xf32, #tpu.memory_space<hbm>>
    %dma_wait3A_179 = arith.constant 0 : i32
    %dma_wait3A_180 = arith.constant 0 : i32
    %dma_wait3A_181 = tpu.memref_slice %arg5[%dma_wait3A_179, %dma_wait3A_180] : memref<64x2048xf32, #tpu.memory_space<hbm>> -> memref<64x128xf32, #tpu.memory_space<hbm>>
    tpu.wait_dma2 semaphore(%arg20 : memref<!tpu.dma_semaphore, #tpu.memory_space<semaphore_mem>>) src(%dma_wait3A_181 : memref<64x128xf32, #tpu.memory_space<hbm>>) dst(%arg9 : memref<64x128xf32, #tpu.memory_space<vmem>>)
    %dma_wait3A_182 = arith.constant 0 : i32
    %dma_wait3A_183 = arith.constant 0 : i32
    %dma_wait3A_184 = tpu.memref_slice %arg5[%dma_wait3A_182, %dma_wait3A_183] : memref<64x2048xf32, #tpu.memory_space<hbm>> -> memref<64x128xf32, #tpu.memory_space<hbm>>
    %dma_wait3A_185 = arith.constant 0 : i32
    %dma_wait3A_186 = arith.constant 0 : i32
    %dma_wait3A_187 = tpu.memref_slice %arg5[%dma_wait3A_185, %dma_wait3A_186] : memref<64x2048xf32, #tpu.memory_space<hbm>> -> memref<64x128xf32, #tpu.memory_space<hbm>>
    tpu.wait_dma2 semaphore(%arg21 : memref<!tpu.dma_semaphore, #tpu.memory_space<semaphore_mem>>) src(%dma_wait3A_187 : memref<64x128xf32, #tpu.memory_space<hbm>>) dst(%arg10 : memref<64x128xf32, #tpu.memory_space<vmem>>)
    %dma_wait3A_188 = arith.constant 0 : i32
    %dma_wait3A_189 = arith.constant 0 : i32
    %dma_wait3A_190 = tpu.memref_slice %arg5[%dma_wait3A_188, %dma_wait3A_189] : memref<64x2048xf32, #tpu.memory_space<hbm>> -> memref<64x128xf32, #tpu.memory_space<hbm>>
    %dma_wait3A_191 = arith.constant 0 : i32
    %dma_wait3A_192 = arith.constant 0 : i32
    %dma_wait3A_193 = tpu.memref_slice %arg5[%dma_wait3A_191, %dma_wait3A_192] : memref<64x2048xf32, #tpu.memory_space<hbm>> -> memref<64x128xf32, #tpu.memory_space<hbm>>
    tpu.wait_dma2 semaphore(%arg22 : memref<!tpu.dma_semaphore, #tpu.memory_space<semaphore_mem>>) src(%dma_wait3A_193 : memref<64x128xf32, #tpu.memory_space<hbm>>) dst(%arg11 : memref<64x128xf32, #tpu.memory_space<vmem>>)
    %dma_wait3A_194 = arith.constant 0 : i32
    %dma_wait3A_195 = arith.constant 0 : i32
    %dma_wait3A_196 = tpu.memref_slice %arg5[%dma_wait3A_194, %dma_wait3A_195] : memref<64x2048xf32, #tpu.memory_space<hbm>> -> memref<64x128xf32, #tpu.memory_space<hbm>>
    %dma_wait3A_197 = arith.constant 0 : i32
    %dma_wait3A_198 = arith.constant 0 : i32
    %dma_wait3A_199 = tpu.memref_slice %arg5[%dma_wait3A_197, %dma_wait3A_198] : memref<64x2048xf32, #tpu.memory_space<hbm>> -> memref<64x128xf32, #tpu.memory_space<hbm>>
    tpu.wait_dma2 semaphore(%arg23 : memref<!tpu.dma_semaphore, #tpu.memory_space<semaphore_mem>>) src(%dma_wait3A_199 : memref<64x128xf32, #tpu.memory_space<hbm>>) dst(%arg12 : memref<64x128xf32, #tpu.memory_space<vmem>>)
    %dma_wait3A_200 = arith.constant 0 : i32
    %dma_wait3A_201 = arith.constant 0 : i32
    %dma_wait3A_202 = tpu.memref_slice %arg5[%dma_wait3A_200, %dma_wait3A_201] : memref<64x2048xf32, #tpu.memory_space<hbm>> -> memref<64x128xf32, #tpu.memory_space<hbm>>
    %dma_wait3A_203 = arith.constant 0 : i32
    %dma_wait3A_204 = arith.constant 0 : i32
    %dma_wait3A_205 = tpu.memref_slice %arg5[%dma_wait3A_203, %dma_wait3A_204] : memref<64x2048xf32, #tpu.memory_space<hbm>> -> memref<64x128xf32, #tpu.memory_space<hbm>>
    tpu.wait_dma2 semaphore(%arg24 : memref<!tpu.dma_semaphore, #tpu.memory_space<semaphore_mem>>) src(%dma_wait3A_205 : memref<64x128xf32, #tpu.memory_space<hbm>>) dst(%arg13 : memref<64x128xf32, #tpu.memory_space<vmem>>)
    %dma_wait3A_206 = arith.constant 0 : i32
    %dma_wait3A_207 = arith.constant 0 : i32
    %dma_wait3A_208 = tpu.memref_slice %arg5[%dma_wait3A_206, %dma_wait3A_207] : memref<64x2048xf32, #tpu.memory_space<hbm>> -> memref<64x128xf32, #tpu.memory_space<hbm>>
    %dma_wait3A_209 = arith.constant 0 : i32
    %dma_wait3A_210 = arith.constant 0 : i32
    %dma_wait3A_211 = tpu.memref_slice %arg5[%dma_wait3A_209, %dma_wait3A_210] : memref<64x2048xf32, #tpu.memory_space<hbm>> -> memref<64x128xf32, #tpu.memory_space<hbm>>
    tpu.wait_dma2 semaphore(%arg25 : memref<!tpu.dma_semaphore, #tpu.memory_space<semaphore_mem>>) src(%dma_wait3A_211 : memref<64x128xf32, #tpu.memory_space<hbm>>) dst(%arg14 : memref<64x128xf32, #tpu.memory_space<vmem>>)
    %dma_wait3A_212 = arith.constant 0 : i32
    %dma_wait3A_213 = arith.constant 0 : i32
    %dma_wait3A_214 = tpu.memref_slice %arg5[%dma_wait3A_212, %dma_wait3A_213] : memref<64x2048xf32, #tpu.memory_space<hbm>> -> memref<64x128xf32, #tpu.memory_space<hbm>>
    %dma_wait3A_215 = arith.constant 0 : i32
    %dma_wait3A_216 = arith.constant 0 : i32
    %dma_wait3A_217 = tpu.memref_slice %arg5[%dma_wait3A_215, %dma_wait3A_216] : memref<64x2048xf32, #tpu.memory_space<hbm>> -> memref<64x128xf32, #tpu.memory_space<hbm>>
    tpu.wait_dma2 semaphore(%arg26 : memref<!tpu.dma_semaphore, #tpu.memory_space<semaphore_mem>>) src(%dma_wait3A_217 : memref<64x128xf32, #tpu.memory_space<hbm>>) dst(%arg15 : memref<64x128xf32, #tpu.memory_space<vmem>>)
    %scan3A_218 = arith.constant 0 : i32
    %scan3A_219 = arith.constant 0 : i32
    %scan3A_220 = arith.constant 64 : i32
    %scan3A_221 = arith.addi %scan3A_219, %scan3A_220 : i32
    %scan3A_222 = arith.constant 2 : i32
    scf.for %scan3A_224 = %scan3A_219 to %scan3A_221 step %scan3A_222  : i32 {
      %get3A = arith.index_cast %scan3A_224 : i32 to index
      %get3A_225 = arith.constant 0 : index
      %get3A_226 = tpu.vector_load %arg17[%get3A, %get3A_225] {strides = array<i32>} : memref<64x256xf32, #tpu.memory_space<vmem>>, vector<16xf32>,
      %get3A_227 = arith.index_cast %scan3A_224 : i32 to index
      %get3A_228 = arith.constant 0 : index
      %get3A_229 = tpu.vector_load %arg18[%get3A_227, %get3A_228] {strides = array<i32>} : memref<64x256xf32, #tpu.memory_space<vmem>>, vector<16xf32>,
      %add3A_230 = arith.addf %get3A_226, %get3A_229 : vector<16xf32>
      %swap3A = arith.index_cast %scan3A_224 : i32 to index
      %swap3A_231 = arith.constant 0 : index
      %swap3A_232 = tpu.vector_load %arg17[%swap3A, %swap3A_231] {strides = array<i32>} : memref<64x256xf32, #tpu.memory_space<vmem>>, vector<16xf32>,
      tpu.vector_store %arg17[%swap3A, %swap3A_231], %add3A_230 {strides = array<i32>} : memref<64x256xf32, #tpu.memory_space<vmem>>, vector<16xf32>,
      %get3A_233 = arith.index_cast %scan3A_224 : i32 to index
      %get3A_234 = arith.constant 16 : index
      %get3A_235 = tpu.vector_load %arg17[%get3A_233, %get3A_234] {strides = array<i32>} : memref<64x256xf32, #tpu.memory_space<vmem>>, vector<16xf32>,
      %get3A_236 = arith.index_cast %scan3A_224 : i32 to index
      %get3A_237 = arith.constant 16 : index
      %get3A_238 = tpu.vector_load %arg18[%get3A_236, %get3A_237] {strides = array<i32>} : memref<64x256xf32, #tpu.memory_space<vmem>>, vector<16xf32>,
      %add3A_239 = arith.addf %get3A_235, %get3A_238 : vector<16xf32>
      %swap3A_240 = arith.index_cast %scan3A_224 : i32 to index
      %swap3A_241 = arith.constant 16 : index
      %swap3A_242 = tpu.vector_load %arg17[%swap3A_240, %swap3A_241] {strides = array<i32>} : memref<64x256xf32, #tpu.memory_space<vmem>>, vector<16xf32>,
      tpu.vector_store %arg17[%swap3A_240, %swap3A_241], %add3A_239 {strides = array<i32>} : memref<64x256xf32, #tpu.memory_space<vmem>>, vector<16xf32>,
      %get3A_243 = arith.index_cast %scan3A_224 : i32 to index
      %get3A_244 = arith.constant 32 : index
      %get3A_245 = tpu.vector_load %arg17[%get3A_243, %get3A_244] {strides = array<i32>} : memref<64x256xf32, #tpu.memory_space<vmem>>, vector<16xf32>,
      %get3A_246 = arith.index_cast %scan3A_224 : i32 to index
      %get3A_247 = arith.constant 32 : index
      %get3A_248 = tpu.vector_load %arg18[%get3A_246, %get3A_247] {strides = array<i32>} : memref<64x256xf32, #tpu.memory_space<vmem>>, vector<16xf32>,
      %add3A_249 = arith.addf %get3A_245, %get3A_248 : vector<16xf32>
      %swap3A_250 = arith.index_cast %scan3A_224 : i32 to index
      %swap3A_251 = arith.constant 32 : index
      %swap3A_252 = tpu.vector_load %arg17[%swap3A_250, %swap3A_251] {strides = array<i32>} : memref<64x256xf32, #tpu.memory_space<vmem>>, vector<16xf32>,
      tpu.vector_store %arg17[%swap3A_250, %swap3A_251], %add3A_249 {strides = array<i32>} : memref<64x256xf32, #tpu.memory_space<vmem>>, vector<16xf32>,
      %get3A_253 = arith.index_cast %scan3A_224 : i32 to index
      %get3A_254 = arith.constant 48 : index
      %get3A_255 = tpu.vector_load %arg17[%get3A_253, %get3A_254] {strides = array<i32>} : memref<64x256xf32, #tpu.memory_space<vmem>>, vector<16xf32>,
      %get3A_256 = arith.index_cast %scan3A_224 : i32 to index
      %get3A_257 = arith.constant 48 : index
      %get3A_258 = tpu.vector_load %arg18[%get3A_256, %get3A_257] {strides = array<i32>} : memref<64x256xf32, #tpu.memory_space<vmem>>, vector<16xf32>,
      %add3A_259 = arith.addf %get3A_255, %get3A_258 : vector<16xf32>
      %swap3A_260 = arith.index_cast %scan3A_224 : i32 to index
      %swap3A_261 = arith.constant 48 : index
      %swap3A_262 = tpu.vector_load %arg17[%swap3A_260, %swap3A_261] {strides = array<i32>} : memref<64x256xf32, #tpu.memory_space<vmem>>, vector<16xf32>,
      tpu.vector_store %arg17[%swap3A_260, %swap3A_261], %add3A_259 {strides = array<i32>} : memref<64x256xf32, #tpu.memory_space<vmem>>, vector<16xf32>,
      %get3A_263 = arith.index_cast %scan3A_224 : i32 to index
      %get3A_264 = arith.constant 64 : index
      %get3A_265 = tpu.vector_load %arg17[%get3A_263, %get3A_264] {strides = array<i32>} : memref<64x256xf32, #tpu.memory_space<vmem>>, vector<16xf32>,
      %get3A_266 = arith.index_cast %scan3A_224 : i32 to index
      %get3A_267 = arith.constant 64 : index
      %get3A_268 = tpu.vector_load %arg18[%get3A_266, %get3A_267] {strides = array<i32>} : memref<64x256xf32, #tpu.memory_space<vmem>>, vector<16xf32>,
      %add3A_269 = arith.addf %get3A_265, %get3A_268 : vector<16xf32>
      %swap3A_270 = arith.index_cast %scan3A_224 : i32 to index
      %swap3A_271 = arith.constant 64 : index
      %swap3A_272 = tpu.vector_load %arg17[%swap3A_270, %swap3A_271] {strides = array<i32>} : memref<64x256xf32, #tpu.memory_space<vmem>>, vector<16xf32>,
      tpu.vector_store %arg17[%swap3A_270, %swap3A_271], %add3A_269 {strides = array<i32>} : memref<64x256xf32, #tpu.memory_space<vmem>>, vector<16xf32>,
      %get3A_273 = arith.index_cast %scan3A_224 : i32 to index
      %get3A_274 = arith.constant 80 : index
      %get3A_275 = tpu.vector_load %arg17[%get3A_273, %get3A_274] {strides = array<i32>} : memref<64x256xf32, #tpu.memory_space<vmem>>, vector<16xf32>,
      %get3A_276 = arith.index_cast %scan3A_224 : i32 to index
      %get3A_277 = arith.constant 80 : index
      %get3A_278 = tpu.vector_load %arg18[%get3A_276, %get3A_277] {strides = array<i32>} : memref<64x256xf32, #tpu.memory_space<vmem>>, vector<16xf32>,
      %add3A_279 = arith.addf %get3A_275, %get3A_278 : vector<16xf32>
      %swap3A_280 = arith.index_cast %scan3A_224 : i32 to index
      %swap3A_281 = arith.constant 80 : index
      %swap3A_282 = tpu.vector_load %arg17[%swap3A_280, %swap3A_281] {strides = array<i32>} : memref<64x256xf32, #tpu.memory_space<vmem>>, vector<16xf32>,
      tpu.vector_store %arg17[%swap3A_280, %swap3A_281], %add3A_279 {strides = array<i32>} : memref<64x256xf32, #tpu.memory_space<vmem>>, vector<16xf32>,
      %get3A_283 = arith.index_cast %scan3A_224 : i32 to index
      %get3A_284 = arith.constant 96 : index
      %get3A_285 = tpu.vector_load %arg17[%get3A_283, %get3A_284] {strides = array<i32>} : memref<64x256xf32, #tpu.memory_space<vmem>>, vector<16xf32>,
      %get3A_286 = arith.index_cast %scan3A_224 : i32 to index
      %get3A_287 = arith.constant 96 : index
      %get3A_288 = tpu.vector_load %arg18[%get3A_286, %get3A_287] {strides = array<i32>} : memref<64x256xf32, #tpu.memory_space<vmem>>, vector<16xf32>,
      %add3A_289 = arith.addf %get3A_285, %get3A_288 : vector<16xf32>
      %swap3A_290 = arith.index_cast %scan3A_224 : i32 to index
      %swap3A_291 = arith.constant 96 : index
      %swap3A_292 = tpu.vector_load %arg17[%swap3A_290, %swap3A_291] {strides = array<i32>} : memref<64x256xf32, #tpu.memory_space<vmem>>, vector<16xf32>,
      tpu.vector_store %arg17[%swap3A_290, %swap3A_291], %add3A_289 {strides = array<i32>} : memref<64x256xf32, #tpu.memory_space<vmem>>, vector<16xf32>,
      %get3A_293 = arith.index_cast %scan3A_224 : i32 to index
      %get3A_294 = arith.constant 112 : index
      %get3A_295 = tpu.vector_load %arg17[%get3A_293, %get3A_294] {strides = array<i32>} : memref<64x256xf32, #tpu.memory_space<vmem>>, vector<16xf32>,
      %get3A_296 = arith.index_cast %scan3A_224 : i32 to index
      %get3A_297 = arith.constant 112 : index
      %get3A_298 = tpu.vector_load %arg18[%get3A_296, %get3A_297] {strides = array<i32>} : memref<64x256xf32, #tpu.memory_space<vmem>>, vector<16xf32>,
      %add3A_299 = arith.addf %get3A_295, %get3A_298 : vector<16xf32>
      %swap3A_300 = arith.index_cast %scan3A_224 : i32 to index
      %swap3A_301 = arith.constant 112 : index
      %swap3A_302 = tpu.vector_load %arg17[%swap3A_300, %swap3A_301] {strides = array<i32>} : memref<64x256xf32, #tpu.memory_space<vmem>>, vector<16xf32>,
      tpu.vector_store %arg17[%swap3A_300, %swap3A_301], %add3A_299 {strides = array<i32>} : memref<64x256xf32, #tpu.memory_space<vmem>>, vector<16xf32>,
      %get3A_303 = arith.index_cast %scan3A_224 : i32 to index
      %get3A_304 = arith.constant 128 : index
      %get3A_305 = tpu.vector_load %arg17[%get3A_303, %get3A_304] {strides = array<i32>} : memref<64x256xf32, #tpu.memory_space<vmem>>, vector<16xf32>,
      %get3A_306 = arith.index_cast %scan3A_224 : i32 to index
      %get3A_307 = arith.constant 128 : index
      %get3A_308 = tpu.vector_load %arg18[%get3A_306, %get3A_307] {strides = array<i32>} : memref<64x256xf32, #tpu.memory_space<vmem>>, vector<16xf32>,
      %add3A_309 = arith.addf %get3A_305, %get3A_308 : vector<16xf32>
      %swap3A_310 = arith.index_cast %scan3A_224 : i32 to index
      %swap3A_311 = arith.constant 128 : index
      %swap3A_312 = tpu.vector_load %arg17[%swap3A_310, %swap3A_311] {strides = array<i32>} : memref<64x256xf32, #tpu.memory_space<vmem>>, vector<16xf32>,
      tpu.vector_store %arg17[%swap3A_310, %swap3A_311], %add3A_309 {strides = array<i32>} : memref<64x256xf32, #tpu.memory_space<vmem>>, vector<16xf32>,
      %get3A_313 = arith.index_cast %scan3A_224 : i32 to index
      %get3A_314 = arith.constant 144 : index
      %get3A_315 = tpu.vector_load %arg17[%get3A_313, %get3A_314] {strides = array<i32>} : memref<64x256xf32, #tpu.memory_space<vmem>>, vector<16xf32>,
      %get3A_316 = arith.index_cast %scan3A_224 : i32 to index
      %get3A_317 = arith.constant 144 : index
      %get3A_318 = tpu.vector_load %arg18[%get3A_316, %get3A_317] {strides = array<i32>} : memref<64x256xf32, #tpu.memory_space<vmem>>, vector<16xf32>,
      %add3A_319 = arith.addf %get3A_315, %get3A_318 : vector<16xf32>
      %swap3A_320 = arith.index_cast %scan3A_224 : i32 to index
      %swap3A_321 = arith.constant 144 : index
      %swap3A_322 = tpu.vector_load %arg17[%swap3A_320, %swap3A_321] {strides = array<i32>} : memref<64x256xf32, #tpu.memory_space<vmem>>, vector<16xf32>,
      tpu.vector_store %arg17[%swap3A_320, %swap3A_321], %add3A_319 {strides = array<i32>} : memref<64x256xf32, #tpu.memory_space<vmem>>, vector<16xf32>,
      %get3A_323 = arith.index_cast %scan3A_224 : i32 to index
      %get3A_324 = arith.constant 160 : index
      %get3A_325 = tpu.vector_load %arg17[%get3A_323, %get3A_324] {strides = array<i32>} : memref<64x256xf32, #tpu.memory_space<vmem>>, vector<16xf32>,
      %get3A_326 = arith.index_cast %scan3A_224 : i32 to index
      %get3A_327 = arith.constant 160 : index
      %get3A_328 = tpu.vector_load %arg18[%get3A_326, %get3A_327] {strides = array<i32>} : memref<64x256xf32, #tpu.memory_space<vmem>>, vector<16xf32>,
      %add3A_329 = arith.addf %get3A_325, %get3A_328 : vector<16xf32>
      %swap3A_330 = arith.index_cast %scan3A_224 : i32 to index
      %swap3A_331 = arith.constant 160 : index
      %swap3A_332 = tpu.vector_load %arg17[%swap3A_330, %swap3A_331] {strides = array<i32>} : memref<64x256xf32, #tpu.memory_space<vmem>>, vector<16xf32>,
      tpu.vector_store %arg17[%swap3A_330, %swap3A_331], %add3A_329 {strides = array<i32>} : memref<64x256xf32, #tpu.memory_space<vmem>>, vector<16xf32>,
      %get3A_333 = arith.index_cast %scan3A_224 : i32 to index
      %get3A_334 = arith.constant 176 : index
      %get3A_335 = tpu.vector_load %arg17[%get3A_333, %get3A_334] {strides = array<i32>} : memref<64x256xf32, #tpu.memory_space<vmem>>, vector<16xf32>,
      %get3A_336 = arith.index_cast %scan3A_224 : i32 to index
      %get3A_337 = arith.constant 176 : index
      %get3A_338 = tpu.vector_load %arg18[%get3A_336, %get3A_337] {strides = array<i32>} : memref<64x256xf32, #tpu.memory_space<vmem>>, vector<16xf32>,
      %add3A_339 = arith.addf %get3A_335, %get3A_338 : vector<16xf32>
      %swap3A_340 = arith.index_cast %scan3A_224 : i32 to index
      %swap3A_341 = arith.constant 176 : index
      %swap3A_342 = tpu.vector_load %arg17[%swap3A_340, %swap3A_341] {strides = array<i32>} : memref<64x256xf32, #tpu.memory_space<vmem>>, vector<16xf32>,
      tpu.vector_store %arg17[%swap3A_340, %swap3A_341], %add3A_339 {strides = array<i32>} : memref<64x256xf32, #tpu.memory_space<vmem>>, vector<16xf32>,
      %get3A_343 = arith.index_cast %scan3A_224 : i32 to index
      %get3A_344 = arith.constant 192 : index
      %get3A_345 = tpu.vector_load %arg17[%get3A_343, %get3A_344] {strides = array<i32>} : memref<64x256xf32, #tpu.memory_space<vmem>>, vector<16xf32>,
      %get3A_346 = arith.index_cast %scan3A_224 : i32 to index
      %get3A_347 = arith.constant 192 : index
      %get3A_348 = tpu.vector_load %arg18[%get3A_346, %get3A_347] {strides = array<i32>} : memref<64x256xf32, #tpu.memory_space<vmem>>, vector<16xf32>,
      %add3A_349 = arith.addf %get3A_345, %get3A_348 : vector<16xf32>
      %swap3A_350 = arith.index_cast %scan3A_224 : i32 to index
      %swap3A_351 = arith.constant 192 : index
      %swap3A_352 = tpu.vector_load %arg17[%swap3A_350, %swap3A_351] {strides = array<i32>} : memref<64x256xf32, #tpu.memory_space<vmem>>, vector<16xf32>,
      tpu.vector_store %arg17[%swap3A_350, %swap3A_351], %add3A_349 {strides = array<i32>} : memref<64x256xf32, #tpu.memory_space<vmem>>, vector<16xf32>,
      %get3A_353 = arith.index_cast %scan3A_224 : i32 to index
      %get3A_354 = arith.constant 208 : index
      %get3A_355 = tpu.vector_load %arg17[%get3A_353, %get3A_354] {strides = array<i32>} : memref<64x256xf32, #tpu.memory_space<vmem>>, vector<16xf32>,
      %get3A_356 = arith.index_cast %scan3A_224 : i32 to index
      %get3A_357 = arith.constant 208 : index
      %get3A_358 = tpu.vector_load %arg18[%get3A_356, %get3A_357] {strides = array<i32>} : memref<64x256xf32, #tpu.memory_space<vmem>>, vector<16xf32>,
      %add3A_359 = arith.addf %get3A_355, %get3A_358 : vector<16xf32>
      %swap3A_360 = arith.index_cast %scan3A_224 : i32 to index
      %swap3A_361 = arith.constant 208 : index
      %swap3A_362 = tpu.vector_load %arg17[%swap3A_360, %swap3A_361] {strides = array<i32>} : memref<64x256xf32, #tpu.memory_space<vmem>>, vector<16xf32>,
      tpu.vector_store %arg17[%swap3A_360, %swap3A_361], %add3A_359 {strides = array<i32>} : memref<64x256xf32, #tpu.memory_space<vmem>>, vector<16xf32>,
      %get3A_363 = arith.index_cast %scan3A_224 : i32 to index
      %get3A_364 = arith.constant 224 : index
      %get3A_365 = tpu.vector_load %arg17[%get3A_363, %get3A_364] {strides = array<i32>} : memref<64x256xf32, #tpu.memory_space<vmem>>, vector<16xf32>,
      %get3A_366 = arith.index_cast %scan3A_224 : i32 to index
      %get3A_367 = arith.constant 224 : index
      %get3A_368 = tpu.vector_load %arg18[%get3A_366, %get3A_367] {strides = array<i32>} : memref<64x256xf32, #tpu.memory_space<vmem>>, vector<16xf32>,
      %add3A_369 = arith.addf %get3A_365, %get3A_368 : vector<16xf32>
      %swap3A_370 = arith.index_cast %scan3A_224 : i32 to index
      %swap3A_371 = arith.constant 224 : index
      %swap3A_372 = tpu.vector_load %arg17[%swap3A_370, %swap3A_371] {strides = array<i32>} : memref<64x256xf32, #tpu.memory_space<vmem>>, vector<16xf32>,
      tpu.vector_store %arg17[%swap3A_370, %swap3A_371], %add3A_369 {strides = array<i32>} : memref<64x256xf32, #tpu.memory_space<vmem>>, vector<16xf32>,
      %get3A_373 = arith.index_cast %scan3A_224 : i32 to index
      %get3A_374 = arith.constant 240 : index
      %get3A_375 = tpu.vector_load %arg17[%get3A_373, %get3A_374] {strides = array<i32>} : memref<64x256xf32, #tpu.memory_space<vmem>>, vector<16xf32>,
      %get3A_376 = arith.index_cast %scan3A_224 : i32 to index
      %get3A_377 = arith.constant 240 : index
      %get3A_378 = tpu.vector_load %arg18[%get3A_376, %get3A_377] {strides = array<i32>} : memref<64x256xf32, #tpu.memory_space<vmem>>, vector<16xf32>,
      %add3A_379 = arith.addf %get3A_375, %get3A_378 : vector<16xf32>
      %swap3A_380 = arith.index_cast %scan3A_224 : i32 to index
      %swap3A_381 = arith.constant 240 : index
      %swap3A_382 = tpu.vector_load %arg17[%swap3A_380, %swap3A_381] {strides = array<i32>} : memref<64x256xf32, #tpu.memory_space<vmem>>, vector<16xf32>,
      tpu.vector_store %arg17[%swap3A_380, %swap3A_381], %add3A_379 {strides = array<i32>} : memref<64x256xf32, #tpu.memory_space<vmem>>, vector<16xf32>,
      %scan3A_383 = arith.constant 1 : i32
      %scan3A_384 = arith.addi %scan3A_224, %scan3A_383 : i32
      %get3A_385 = arith.index_cast %scan3A_384 : i32 to index
      %get3A_386 = arith.constant 0 : index
      %get3A_387 = tpu.vector_load %arg17[%get3A_385, %get3A_386] {strides = array<i32>} : memref<64x256xf32, #tpu.memory_space<vmem>>, vector<16xf32>,
      %get3A_388 = arith.index_cast %scan3A_384 : i32 to index
      %get3A_389 = arith.constant 0 : index
      %get3A_390 = tpu.vector_load %arg18[%get3A_388, %get3A_389] {strides = array<i32>} : memref<64x256xf32, #tpu.memory_space<vmem>>, vector<16xf32>,
      %add3A_391 = arith.addf %get3A_387, %get3A_390 : vector<16xf32>
      %swap3A_392 = arith.index_cast %scan3A_384 : i32 to index
      %swap3A_393 = arith.constant 0 : index
      %swap3A_394 = tpu.vector_load %arg17[%swap3A_392, %swap3A_393] {strides = array<i32>} : memref<64x256xf32, #tpu.memory_space<vmem>>, vector<16xf32>,
      tpu.vector_store %arg17[%swap3A_392, %swap3A_393], %add3A_391 {strides = array<i32>} : memref<64x256xf32, #tpu.memory_space<vmem>>, vector<16xf32>,
      %get3A_395 = arith.index_cast %scan3A_384 : i32 to index
      %get3A_396 = arith.constant 16 : index
      %get3A_397 = tpu.vector_load %arg17[%get3A_395, %get3A_396] {strides = array<i32>} : memref<64x256xf32, #tpu.memory_space<vmem>>, vector<16xf32>,
      %get3A_398 = arith.index_cast %scan3A_384 : i32 to index
      %get3A_399 = arith.constant 16 : index
      %get3A_400 = tpu.vector_load %arg18[%get3A_398, %get3A_399] {strides = array<i32>} : memref<64x256xf32, #tpu.memory_space<vmem>>, vector<16xf32>,
      %add3A_401 = arith.addf %get3A_397, %get3A_400 : vector<16xf32>
      %swap3A_402 = arith.index_cast %scan3A_384 : i32 to index
      %swap3A_403 = arith.constant 16 : index
      %swap3A_404 = tpu.vector_load %arg17[%swap3A_402, %swap3A_403] {strides = array<i32>} : memref<64x256xf32, #tpu.memory_space<vmem>>, vector<16xf32>,
      tpu.vector_store %arg17[%swap3A_402, %swap3A_403], %add3A_401 {strides = array<i32>} : memref<64x256xf32, #tpu.memory_space<vmem>>, vector<16xf32>,
      %get3A_405 = arith.index_cast %scan3A_384 : i32 to index
      %get3A_406 = arith.constant 32 : index
      %get3A_407 = tpu.vector_load %arg17[%get3A_405, %get3A_406] {strides = array<i32>} : memref<64x256xf32, #tpu.memory_space<vmem>>, vector<16xf32>,
      %get3A_408 = arith.index_cast %scan3A_384 : i32 to index
      %get3A_409 = arith.constant 32 : index
      %get3A_410 = tpu.vector_load %arg18[%get3A_408, %get3A_409] {strides = array<i32>} : memref<64x256xf32, #tpu.memory_space<vmem>>, vector<16xf32>,
      %add3A_411 = arith.addf %get3A_407, %get3A_410 : vector<16xf32>
      %swap3A_412 = arith.index_cast %scan3A_384 : i32 to index
      %swap3A_413 = arith.constant 32 : index
      %swap3A_414 = tpu.vector_load %arg17[%swap3A_412, %swap3A_413] {strides = array<i32>} : memref<64x256xf32, #tpu.memory_space<vmem>>, vector<16xf32>,
      tpu.vector_store %arg17[%swap3A_412, %swap3A_413], %add3A_411 {strides = array<i32>} : memref<64x256xf32, #tpu.memory_space<vmem>>, vector<16xf32>,
      %get3A_415 = arith.index_cast %scan3A_384 : i32 to index
      %get3A_416 = arith.constant 48 : index
      %get3A_417 = tpu.vector_load %arg17[%get3A_415, %get3A_416] {strides = array<i32>} : memref<64x256xf32, #tpu.memory_space<vmem>>, vector<16xf32>,
      %get3A_418 = arith.index_cast %scan3A_384 : i32 to index
      %get3A_419 = arith.constant 48 : index
      %get3A_420 = tpu.vector_load %arg18[%get3A_418, %get3A_419] {strides = array<i32>} : memref<64x256xf32, #tpu.memory_space<vmem>>, vector<16xf32>,
      %add3A_421 = arith.addf %get3A_417, %get3A_420 : vector<16xf32>
      %swap3A_422 = arith.index_cast %scan3A_384 : i32 to index
      %swap3A_423 = arith.constant 48 : index
      %swap3A_424 = tpu.vector_load %arg17[%swap3A_422, %swap3A_423] {strides = array<i32>} : memref<64x256xf32, #tpu.memory_space<vmem>>, vector<16xf32>,
      tpu.vector_store %arg17[%swap3A_422, %swap3A_423], %add3A_421 {strides = array<i32>} : memref<64x256xf32, #tpu.memory_space<vmem>>, vector<16xf32>,
      %get3A_425 = arith.index_cast %scan3A_384 : i32 to index
      %get3A_426 = arith.constant 64 : index
      %get3A_427 = tpu.vector_load %arg17[%get3A_425, %get3A_426] {strides = array<i32>} : memref<64x256xf32, #tpu.memory_space<vmem>>, vector<16xf32>,
      %get3A_428 = arith.index_cast %scan3A_384 : i32 to index
      %get3A_429 = arith.constant 64 : index
      %get3A_430 = tpu.vector_load %arg18[%get3A_428, %get3A_429] {strides = array<i32>} : memref<64x256xf32, #tpu.memory_space<vmem>>, vector<16xf32>,
      %add3A_431 = arith.addf %get3A_427, %get3A_430 : vector<16xf32>
      %swap3A_432 = arith.index_cast %scan3A_384 : i32 to index
      %swap3A_433 = arith.constant 64 : index
      %swap3A_434 = tpu.vector_load %arg17[%swap3A_432, %swap3A_433] {strides = array<i32>} : memref<64x256xf32, #tpu.memory_space<vmem>>, vector<16xf32>,
      tpu.vector_store %arg17[%swap3A_432, %swap3A_433], %add3A_431 {strides = array<i32>} : memref<64x256xf32, #tpu.memory_space<vmem>>, vector<16xf32>,
      %get3A_435 = arith.index_cast %scan3A_384 : i32 to index
      %get3A_436 = arith.constant 80 : index
      %get3A_437 = tpu.vector_load %arg17[%get3A_435, %get3A_436] {strides = array<i32>} : memref<64x256xf32, #tpu.memory_space<vmem>>, vector<16xf32>,
      %get3A_438 = arith.index_cast %scan3A_384 : i32 to index
      %get3A_439 = arith.constant 80 : index
      %get3A_440 = tpu.vector_load %arg18[%get3A_438, %get3A_439] {strides = array<i32>} : memref<64x256xf32, #tpu.memory_space<vmem>>, vector<16xf32>,
      %add3A_441 = arith.addf %get3A_437, %get3A_440 : vector<16xf32>
      %swap3A_442 = arith.index_cast %scan3A_384 : i32 to index
      %swap3A_443 = arith.constant 80 : index
      %swap3A_444 = tpu.vector_load %arg17[%swap3A_442, %swap3A_443] {strides = array<i32>} : memref<64x256xf32, #tpu.memory_space<vmem>>, vector<16xf32>,
      tpu.vector_store %arg17[%swap3A_442, %swap3A_443], %add3A_441 {strides = array<i32>} : memref<64x256xf32, #tpu.memory_space<vmem>>, vector<16xf32>,
      %get3A_445 = arith.index_cast %scan3A_384 : i32 to index
      %get3A_446 = arith.constant 96 : index
      %get3A_447 = tpu.vector_load %arg17[%get3A_445, %get3A_446] {strides = array<i32>} : memref<64x256xf32, #tpu.memory_space<vmem>>, vector<16xf32>,
      %get3A_448 = arith.index_cast %scan3A_384 : i32 to index
      %get3A_449 = arith.constant 96 : index
      %get3A_450 = tpu.vector_load %arg18[%get3A_448, %get3A_449] {strides = array<i32>} : memref<64x256xf32, #tpu.memory_space<vmem>>, vector<16xf32>,
      %add3A_451 = arith.addf %get3A_447, %get3A_450 : vector<16xf32>
      %swap3A_452 = arith.index_cast %scan3A_384 : i32 to index
      %swap3A_453 = arith.constant 96 : index
      %swap3A_454 = tpu.vector_load %arg17[%swap3A_452, %swap3A_453] {strides = array<i32>} : memref<64x256xf32, #tpu.memory_space<vmem>>, vector<16xf32>,
      tpu.vector_store %arg17[%swap3A_452, %swap3A_453], %add3A_451 {strides = array<i32>} : memref<64x256xf32, #tpu.memory_space<vmem>>, vector<16xf32>,
      %get3A_455 = arith.index_cast %scan3A_384 : i32 to index
      %get3A_456 = arith.constant 112 : index
      %get3A_457 = tpu.vector_load %arg17[%get3A_455, %get3A_456] {strides = array<i32>} : memref<64x256xf32, #tpu.memory_space<vmem>>, vector<16xf32>,
      %get3A_458 = arith.index_cast %scan3A_384 : i32 to index
      %get3A_459 = arith.constant 112 : index
      %get3A_460 = tpu.vector_load %arg18[%get3A_458, %get3A_459] {strides = array<i32>} : memref<64x256xf32, #tpu.memory_space<vmem>>, vector<16xf32>,
      %add3A_461 = arith.addf %get3A_457, %get3A_460 : vector<16xf32>
      %swap3A_462 = arith.index_cast %scan3A_384 : i32 to index
      %swap3A_463 = arith.constant 112 : index
      %swap3A_464 = tpu.vector_load %arg17[%swap3A_462, %swap3A_463] {strides = array<i32>} : memref<64x256xf32, #tpu.memory_space<vmem>>, vector<16xf32>,
      tpu.vector_store %arg17[%swap3A_462, %swap3A_463], %add3A_461 {strides = array<i32>} : memref<64x256xf32, #tpu.memory_space<vmem>>, vector<16xf32>,
      %get3A_465 = arith.index_cast %scan3A_384 : i32 to index
      %get3A_466 = arith.constant 128 : index
      %get3A_467 = tpu.vector_load %arg17[%get3A_465, %get3A_466] {strides = array<i32>} : memref<64x256xf32, #tpu.memory_space<vmem>>, vector<16xf32>,
      %get3A_468 = arith.index_cast %scan3A_384 : i32 to index
      %get3A_469 = arith.constant 128 : index
      %get3A_470 = tpu.vector_load %arg18[%get3A_468, %get3A_469] {strides = array<i32>} : memref<64x256xf32, #tpu.memory_space<vmem>>, vector<16xf32>,
      %add3A_471 = arith.addf %get3A_467, %get3A_470 : vector<16xf32>
      %swap3A_472 = arith.index_cast %scan3A_384 : i32 to index
      %swap3A_473 = arith.constant 128 : index
      %swap3A_474 = tpu.vector_load %arg17[%swap3A_472, %swap3A_473] {strides = array<i32>} : memref<64x256xf32, #tpu.memory_space<vmem>>, vector<16xf32>,
      tpu.vector_store %arg17[%swap3A_472, %swap3A_473], %add3A_471 {strides = array<i32>} : memref<64x256xf32, #tpu.memory_space<vmem>>, vector<16xf32>,
      %get3A_475 = arith.index_cast %scan3A_384 : i32 to index
      %get3A_476 = arith.constant 144 : index
      %get3A_477 = tpu.vector_load %arg17[%get3A_475, %get3A_476] {strides = array<i32>} : memref<64x256xf32, #tpu.memory_space<vmem>>, vector<16xf32>,
      %get3A_478 = arith.index_cast %scan3A_384 : i32 to index
      %get3A_479 = arith.constant 144 : index
      %get3A_480 = tpu.vector_load %arg18[%get3A_478, %get3A_479] {strides = array<i32>} : memref<64x256xf32, #tpu.memory_space<vmem>>, vector<16xf32>,
      %add3A_481 = arith.addf %get3A_477, %get3A_480 : vector<16xf32>
      %swap3A_482 = arith.index_cast %scan3A_384 : i32 to index
      %swap3A_483 = arith.constant 144 : index
      %swap3A_484 = tpu.vector_load %arg17[%swap3A_482, %swap3A_483] {strides = array<i32>} : memref<64x256xf32, #tpu.memory_space<vmem>>, vector<16xf32>,
      tpu.vector_store %arg17[%swap3A_482, %swap3A_483], %add3A_481 {strides = array<i32>} : memref<64x256xf32, #tpu.memory_space<vmem>>, vector<16xf32>,
      %get3A_485 = arith.index_cast %scan3A_384 : i32 to index
      %get3A_486 = arith.constant 160 : index
      %get3A_487 = tpu.vector_load %arg17[%get3A_485, %get3A_486] {strides = array<i32>} : memref<64x256xf32, #tpu.memory_space<vmem>>, vector<16xf32>,
      %get3A_488 = arith.index_cast %scan3A_384 : i32 to index
      %get3A_489 = arith.constant 160 : index
      %get3A_490 = tpu.vector_load %arg18[%get3A_488, %get3A_489] {strides = array<i32>} : memref<64x256xf32, #tpu.memory_space<vmem>>, vector<16xf32>,
      %add3A_491 = arith.addf %get3A_487, %get3A_490 : vector<16xf32>
      %swap3A_492 = arith.index_cast %scan3A_384 : i32 to index
      %swap3A_493 = arith.constant 160 : index
      %swap3A_494 = tpu.vector_load %arg17[%swap3A_492, %swap3A_493] {strides = array<i32>} : memref<64x256xf32, #tpu.memory_space<vmem>>, vector<16xf32>,
      tpu.vector_store %arg17[%swap3A_492, %swap3A_493], %add3A_491 {strides = array<i32>} : memref<64x256xf32, #tpu.memory_space<vmem>>, vector<16xf32>,
      %get3A_495 = arith.index_cast %scan3A_384 : i32 to index
      %get3A_496 = arith.constant 176 : index
      %get3A_497 = tpu.vector_load %arg17[%get3A_495, %get3A_496] {strides = array<i32>} : memref<64x256xf32, #tpu.memory_space<vmem>>, vector<16xf32>,
      %get3A_498 = arith.index_cast %scan3A_384 : i32 to index
      %get3A_499 = arith.constant 176 : index
      %get3A_500 = tpu.vector_load %arg18[%get3A_498, %get3A_499] {strides = array<i32>} : memref<64x256xf32, #tpu.memory_space<vmem>>, vector<16xf32>,
      %add3A_501 = arith.addf %get3A_497, %get3A_500 : vector<16xf32>
      %swap3A_502 = arith.index_cast %scan3A_384 : i32 to index
      %swap3A_503 = arith.constant 176 : index
      %swap3A_504 = tpu.vector_load %arg17[%swap3A_502, %swap3A_503] {strides = array<i32>} : memref<64x256xf32, #tpu.memory_space<vmem>>, vector<16xf32>,
      tpu.vector_store %arg17[%swap3A_502, %swap3A_503], %add3A_501 {strides = array<i32>} : memref<64x256xf32, #tpu.memory_space<vmem>>, vector<16xf32>,
      %get3A_505 = arith.index_cast %scan3A_384 : i32 to index
      %get3A_506 = arith.constant 192 : index
      %get3A_507 = tpu.vector_load %arg17[%get3A_505, %get3A_506] {strides = array<i32>} : memref<64x256xf32, #tpu.memory_space<vmem>>, vector<16xf32>,
      %get3A_508 = arith.index_cast %scan3A_384 : i32 to index
      %get3A_509 = arith.constant 192 : index
      %get3A_510 = tpu.vector_load %arg18[%get3A_508, %get3A_509] {strides = array<i32>} : memref<64x256xf32, #tpu.memory_space<vmem>>, vector<16xf32>,
      %add3A_511 = arith.addf %get3A_507, %get3A_510 : vector<16xf32>
      %swap3A_512 = arith.index_cast %scan3A_384 : i32 to index
      %swap3A_513 = arith.constant 192 : index
      %swap3A_514 = tpu.vector_load %arg17[%swap3A_512, %swap3A_513] {strides = array<i32>} : memref<64x256xf32, #tpu.memory_space<vmem>>, vector<16xf32>,
      tpu.vector_store %arg17[%swap3A_512, %swap3A_513], %add3A_511 {strides = array<i32>} : memref<64x256xf32, #tpu.memory_space<vmem>>, vector<16xf32>,
      %get3A_515 = arith.index_cast %scan3A_384 : i32 to index
      %get3A_516 = arith.constant 208 : index
      %get3A_517 = tpu.vector_load %arg17[%get3A_515, %get3A_516] {strides = array<i32>} : memref<64x256xf32, #tpu.memory_space<vmem>>, vector<16xf32>,
      %get3A_518 = arith.index_cast %scan3A_384 : i32 to index
      %get3A_519 = arith.constant 208 : index
      %get3A_520 = tpu.vector_load %arg18[%get3A_518, %get3A_519] {strides = array<i32>} : memref<64x256xf32, #tpu.memory_space<vmem>>, vector<16xf32>,
      %add3A_521 = arith.addf %get3A_517, %get3A_520 : vector<16xf32>
      %swap3A_522 = arith.index_cast %scan3A_384 : i32 to index
      %swap3A_523 = arith.constant 208 : index
      %swap3A_524 = tpu.vector_load %arg17[%swap3A_522, %swap3A_523] {strides = array<i32>} : memref<64x256xf32, #tpu.memory_space<vmem>>, vector<16xf32>,
      tpu.vector_store %arg17[%swap3A_522, %swap3A_523], %add3A_521 {strides = array<i32>} : memref<64x256xf32, #tpu.memory_space<vmem>>, vector<16xf32>,
      %get3A_525 = arith.index_cast %scan3A_384 : i32 to index
      %get3A_526 = arith.constant 224 : index
      %get3A_527 = tpu.vector_load %arg17[%get3A_525, %get3A_526] {strides = array<i32>} : memref<64x256xf32, #tpu.memory_space<vmem>>, vector<16xf32>,
      %get3A_528 = arith.index_cast %scan3A_384 : i32 to index
      %get3A_529 = arith.constant 224 : index
      %get3A_530 = tpu.vector_load %arg18[%get3A_528, %get3A_529] {strides = array<i32>} : memref<64x256xf32, #tpu.memory_space<vmem>>, vector<16xf32>,
      %add3A_531 = arith.addf %get3A_527, %get3A_530 : vector<16xf32>
      %swap3A_532 = arith.index_cast %scan3A_384 : i32 to index
      %swap3A_533 = arith.constant 224 : index
      %swap3A_534 = tpu.vector_load %arg17[%swap3A_532, %swap3A_533] {strides = array<i32>} : memref<64x256xf32, #tpu.memory_space<vmem>>, vector<16xf32>,
      tpu.vector_store %arg17[%swap3A_532, %swap3A_533], %add3A_531 {strides = array<i32>} : memref<64x256xf32, #tpu.memory_space<vmem>>, vector<16xf32>,
      %get3A_535 = arith.index_cast %scan3A_384 : i32 to index
      %get3A_536 = arith.constant 240 : index
      %get3A_537 = tpu.vector_load %arg17[%get3A_535, %get3A_536] {strides = array<i32>} : memref<64x256xf32, #tpu.memory_space<vmem>>, vector<16xf32>,
      %get3A_538 = arith.index_cast %scan3A_384 : i32 to index
      %get3A_539 = arith.constant 240 : index
      %get3A_540 = tpu.vector_load %arg18[%get3A_538, %get3A_539] {strides = array<i32>} : memref<64x256xf32, #tpu.memory_space<vmem>>, vector<16xf32>,
      %add3A_541 = arith.addf %get3A_537, %get3A_540 : vector<16xf32>
      %swap3A_542 = arith.index_cast %scan3A_384 : i32 to index
      %swap3A_543 = arith.constant 240 : index
      %swap3A_544 = tpu.vector_load %arg17[%swap3A_542, %swap3A_543] {strides = array<i32>} : memref<64x256xf32, #tpu.memory_space<vmem>>, vector<16xf32>,
      tpu.vector_store %arg17[%swap3A_542, %swap3A_543], %add3A_541 {strides = array<i32>} : memref<64x256xf32, #tpu.memory_space<vmem>>, vector<16xf32>,
    }
    %scan3A_223 = arith.constant 64 : i32
    "tpu.region"() ({
      %run_scoped3A = tpu.sem_alloc : memref<!tpu.dma_semaphore, #tpu.memory_space<semaphore_mem>>
      %dma_start3A_224 = arith.constant 0 : i32
      %dma_start3A_225 = tpu.memref_slice %arg6[%div3A_3, %dma_start3A_224, %multiple_of3A] : memref<4x64x2048xf32, #tpu.memory_space<hbm>> -> memref<1x64x256xf32, #tpu.memory_space<hbm>>
      %dma_start3A_226 = tpu.memref_squeeze %dma_start3A_225 : memref<1x64x256xf32, #tpu.memory_space<hbm>> -> memref<64x256xf32, #tpu.memory_space<hbm>>
      %dma_start3A_227 = arith.constant 0 : i32
      %dma_start3A_228 = tpu.memref_slice %arg6[%div3A_3, %dma_start3A_227, %multiple_of3A] : memref<4x64x2048xf32, #tpu.memory_space<hbm>> -> memref<1x64x256xf32, #tpu.memory_space<hbm>>
      %dma_start3A_229 = tpu.memref_squeeze %dma_start3A_228 : memref<1x64x256xf32, #tpu.memory_space<hbm>> -> memref<64x256xf32, #tpu.memory_space<hbm>>
      tpu.enqueue_dma source(%arg17 : memref<64x256xf32, #tpu.memory_space<vmem>>) target(%dma_start3A_229 : memref<64x256xf32, #tpu.memory_space<hbm>>) target_semaphore(%run_scoped3A : memref<!tpu.dma_semaphore, #tpu.memory_space<semaphore_mem>>)
      %dma_wait3A_230 = arith.constant 0 : i32
      %dma_wait3A_231 = tpu.memref_slice %arg6[%div3A_3, %dma_wait3A_230, %multiple_of3A] : memref<4x64x2048xf32, #tpu.memory_space<hbm>> -> memref<1x64x256xf32, #tpu.memory_space<hbm>>
      %dma_wait3A_232 = tpu.memref_squeeze %dma_wait3A_231 : memref<1x64x256xf32, #tpu.memory_space<hbm>> -> memref<64x256xf32, #tpu.memory_space<hbm>>
      %dma_wait3A_233 = arith.constant 0 : i32
      %dma_wait3A_234 = tpu.memref_slice %arg6[%div3A_3, %dma_wait3A_233, %multiple_of3A] : memref<4x64x2048xf32, #tpu.memory_space<hbm>> -> memref<1x64x256xf32, #tpu.memory_space<hbm>>
      %dma_wait3A_235 = tpu.memref_squeeze %dma_wait3A_234 : memref<1x64x256xf32, #tpu.memory_space<hbm>> -> memref<64x256xf32, #tpu.memory_space<hbm>>
      tpu.wait_dma2 semaphore(%run_scoped3A : memref<!tpu.dma_semaphore, #tpu.memory_space<semaphore_mem>>) src(%arg17 : memref<64x256xf32, #tpu.memory_space<vmem>>) dst(%dma_wait3A_235 : memref<64x256xf32, #tpu.memory_space<hbm>>)
      tpu.yield
    }) : () -> ()
    return
  }
}

</mosaic_0001>

<sc_bundles>
// kernel: kernel.3.cloned.1.call-start
scs
__scs_entry_jumppad:
0x0: {  	(pc) =	sbr.rel $0x88, $3  }
0x1: {  	(tag) =	ssettag $0x0;
	lr =	simm.s32 $0x1  }
0x2: {  	[smem:$0x3F9E] =	sst lr;
	_ =	strace $0xD0000000  }
0x3: {  	_ = 	snop  }
0x4: {  	_ = 	snop  }
0x5: {  	_ = 	snop  }
0x6: {  	_ = 	snop  }
0x7: {  	_ = 	snop  }
__scs_overlays_trampoline_lowered:
0x8: {  	[smem:$0x3FAD] =	sst s0  }
0x9: {  	[smem:$0x3FAE] =	sst s1  }
0xa: {  	[smem:$0x3FAF] =	sst s2  }
0xb: {  	[smem:$0x3FB0] =	sst s3  }
0xc: {  	[smem:$0x3FB1] =	sst s4  }
0xd: {  	[smem:$0x3FB2] =	sst s5  }
0xe: {  	[smem:$0x3FB3] =	sst s6  }
0xf: {  	[smem:$0x3FB4] =	sst s7  }
0x10: {  	[smem:$0x3FB5] =	sst s8  }
0x11: {  	[smem:$0x3FB6] =	sst s9;
	s0 =	simm.s32 @!p0 $0x0  }
0x12: {  	s1 =	sld [smem:$0x3F9C];
	s0 =	simm.s32 @p0 $0x1  }
0x13: {  	[smem:$0x3FB7] =	sst s0;
	s0 =	simm.s32 @!p1 $0x0  }
0x14: {  	s2 =	sld [smem:$0x3F9B];
	s0 =	simm.s32 @p1 $0x1  }
0x15: {  	[smem:$0x3FB8] =	sst s0;
	s0 =	simm.s32 @!p2 $0x0  }
0x16: {  	s3 =	sld [smem:$0x3FDB];
	s0 =	simm.s32 @p2 $0x1  }
0x17: {  	s4 =	simm.s32 $0x1BF5;
	[smem:$0x3FBA] =	sst s0  }
0x18: {  	s0 =	sld [smem:$0x3F9D];
	_ =	swait.ge [sflag:s4], $0x0  }
0x19: {  	s7 =	sld [smem:$0x3F9E]  }
0x1a: {  	s8 =	sadd.s32 $0xFFFFE003, lr  }
0x1b: {  	s9 =	sadd.s32 $0xFFFFFEF7, lr;
	s5 =	simm.s32 $0xFFFFFFFF;
	p2 =	slt.u32 s8, $0xFFFFF086  }
0x1c: {  	p1 =	slt.u32 s9, $0xF7A;
	s5 =	simm.s32 @!p2 $0x0  }
0x1d: {  	s5 =	simm.s32 @p1 $0x1;
	p0 =	seq.s32 s7, s2  }
0x1e: {  	s7 =	smul.u32 @!p0 $0xF7A, s2;
	p2 =	seq.s32 @!p0 s5, $0x0  }
0x1f: {  	s9 =	smul.u32 $0xF7A, s1;
	s8 =	simm.s32 @!p0 $0x1BF5;
	p2 =	por !p2, p0  }
0x20: {  	[sflag:s8] =	ssyncset.s32 @!p0 $0xFFFFF086;
	s6 =	sadd.s32 @!p0 s3, s7;
	s7 =	simm.s32 @!p0 $0x108  }
0x21: {  	s3 =	sadd.s32 s3, s9;
	s6 =	sadd.s32 @!p0 $0x88, s6;
	s7 =	simm.s32 @p2 $0x1082  }
0x22: {  	[simem:s7], [sflag:s8] =	dma.local @!p0 [hbm:s6], $0xF7A  }
0x23: {  	s9 =	sor.u32 $0xD0000000, s2;
	s6 =	simm.s32 $0x108;
	_ =	swait.ge @!p0 [sflag:s8], $0x0  }
0x24: {  	s3 =	sadd.s32 $0x88, s3;
	s6 =	simm.s32 @!p1 $0x1082;
	[sflag:s4] =	ssyncset.s32 $0xFFFFF086  }
0x25: {  	[simem:s6], [sflag:s4] =	dma.local [hbm:s3], $0xF7A  }
0x26: {  	[smem:$0x3F9E] =	sst s1;
	(tag) =	ssettag s2;
	_ =	strace s9  }
0x27: {  	s1 =	sld [smem:$0x3FAE]  }
0x28: {  	s2 =	sld [smem:$0x3FAF]  }
0x29: {  	s4 =	sld [smem:$0x3FB1]  }
0x2a: {  	p0 =	seq.s32 s5, $0x0;
	s5 =	sld [smem:$0x3FB2]  }
0x2b: {  	s6 =	sld [smem:$0x3FB3]  }
0x2c: {  	s7 =	sld [smem:$0x3FB4]  }
0x2d: {  	s3 =	simm.s32 $0x108;
	s8 =	sld [smem:$0x3FB5]  }
0x2e: {  	s3 =	simm.s32 @!p0 $0x1082;
	s9 =	sld [smem:$0x3FB6]  }
0x2f: {  	lr =	sadd.s32 s0, s3;
	s0 =	sld [smem:$0x3FAD]  }
0x30: {  	s3 =	sld [smem:$0x3FB0]  }
0x31: {  	[smem:$0x3FB9] =	sst s10  }
0x32: {  	s10 =	sld [smem:$0x3FB7];
	_ =	sdelay $0x3  }
0x33: {  	p0 =	seq.s32 s10, $0x1;
	s10 =	sld [smem:$0x3FB9];
	_ =	sdelay $0x3  }
0x34: {  	[smem:$0x3FB9] =	sst s10  }
0x35: {  	s10 =	sld [smem:$0x3FB8];
	_ =	sdelay $0x3  }
0x36: {  	p1 =	seq.s32 s10, $0x1;
	s10 =	sld [smem:$0x3FB9];
	_ =	sdelay $0x3  }
0x37: {  	[smem:$0x3FB9] =	sst s10  }
0x38: {  	s10 =	sld [smem:$0x3FBA]  }
0x39: {  	_ = 	snop;
	(pc) =	sbr.ind lr, $3  }
0x3a: {  	_ = 	snop  }
0x3b: {  	_ = 	snop  }
0x3c: {  	p2 =	seq.s32 s10, $0x1;
	s10 =	sld [smem:$0x3FB9]  }
0x3d: {  	_ =	shalt  }
0x3e: {  	_ =	shalt  }
0x3f: {  	_ =	shalt  }
0x40: {  	_ =	shalt  }
0x41: {  	_ =	shalt  }
0x42: {  	_ =	shalt  }
0x43: {  	_ =	shalt  }
0x44: {  	_ =	shalt  }
0x45: {  	_ =	shalt  }
0x46: {  	_ =	shalt  }
0x47: {  	_ =	shalt  }
0x48: {  	_ =	shalt  }
0x49: {  	_ =	shalt  }
0x4a: {  	_ =	shalt  }
0x4b: {  	_ =	shalt  }
0x4c: {  	_ =	shalt  }
0x4d: {  	_ =	shalt  }
0x4e: {  	_ =	shalt  }
0x4f: {  	_ =	shalt  }
0x50: {  	_ =	shalt  }
0x51: {  	_ =	shalt  }
0x52: {  	_ =	shalt  }
0x53: {  	_ =	shalt  }
0x54: {  	_ =	shalt  }
0x55: {  	_ =	shalt  }
0x56: {  	_ =	shalt  }
0x57: {  	_ =	shalt  }
0x58: {  	_ =	shalt  }
0x59: {  	_ =	shalt  }
0x5a: {  	_ =	shalt  }
0x5b: {  	_ =	shalt  }
0x5c: {  	_ =	shalt  }
0x5d: {  	_ =	shalt  }
0x5e: {  	_ =	shalt  }
0x5f: {  	_ =	shalt  }
0x60: {  	_ =	shalt  }
0x61: {  	_ =	shalt  }
0x62: {  	_ =	shalt  }
0x63: {  	_ =	shalt  }
0x64: {  	_ =	shalt  }
0x65: {  	_ =	shalt  }
0x66: {  	_ =	shalt  }
0x67: {  	_ =	shalt  }
0x68: {  	_ =	shalt  }
0x69: {  	_ =	shalt  }
0x6a: {  	_ =	shalt  }
0x6b: {  	_ =	shalt  }
0x6c: {  	_ =	shalt  }
0x6d: {  	_ =	shalt  }
0x6e: {  	_ =	shalt  }
0x6f: {  	_ =	shalt  }
0x70: {  	_ =	shalt  }
0x71: {  	_ =	shalt  }
0x72: {  	_ =	shalt  }
0x73: {  	_ =	shalt  }
0x74: {  	_ =	shalt  }
0x75: {  	_ =	shalt  }
0x76: {  	_ =	shalt  }
0x77: {  	_ =	shalt  }
0x78: {  	_ =	shalt  }
0x79: {  	_ =	shalt  }
0x7a: {  	_ =	shalt  }
0x7b: {  	_ =	shalt  }
0x7c: {  	_ =	shalt  }
0x7d: {  	_ =	shalt  }
0x7e: {  	_ =	shalt  }
0x7f: {  	_ =	shalt  }
0x80: {  	_ =	shalt  }
0x81: {  	_ =	shalt  }
0x82: {  	_ =	shalt  }
0x83: {  	_ =	shalt  }
0x84: {  	_ =	shalt  }
0x85: {  	_ =	shalt  }
0x86: {  	_ =	shalt  }
0x87: {  	_ =	shalt  }
.Lfunc_end0:
.L_simem_size_0:
called_computation_lowered:
.L_overlay_start_0:
0x88: {  	s2 =	sld [smem:$0x3FD9]  }
0x89: {  	s3 =	sld [smem:$0x3FFE];
	_ =	sdelay $0x1  }
0x8a: {  	s1 =	srdreg.scid  }
0x8b: {  	s0 =	sand.u32 $0x1, s1  }
0x8c: {  	s17 =	sshll.u32 s0, $0xA;
	s2 =	sadd.s32 s3, s2  }
0x8d: {  	s2 =	sadd.s32 s2, s17  }
0x8e: {  	[smem:$0x3FC5] =	sst s2  }
0x8f: {  	_ = 	snop  }
0x90: {  	s2 =	sld [smem:$0x3FC8]  }
0x91: {  	s18 =	sld [smem:$0x3FC7]  }
0x92: {  	s4 =	sld [smem:$0x3FD0];
	(tm) =	ssettm $0x1  }
0x93: {  	s5 =	sld [smem:$0x3FFB];
	_ =	sdelay $0x3  }
0x94: {  	_ =	strace s5  }
0x95: {  	s5 =	sld [smem:$0x3FFC];
	_ =	sdelay $0x3  }
0x96: {  	_ =	strace s5  }
0x97: {  	s5 =	sld [smem:$0x3FFD];
	_ =	sdelay $0x3  }
0x98: {  	_ =	strace s5  }
0x99: {  	_ =	strace $0x8FFFFFFF  }
0x9a: {  	s19 =	sld [smem:$0x3FDB];
	_ =	sdelay $0x1  }
0x9b: {  	s6 =	simm.s32 $_scs_section_size  }
0x9c: {  	s7 =	simm.s32 $_size__tile_overlayer_lowered;
	s8 =	simm.s32 $_tile_overlayer_lowered  }
0x9d: {  	s22 =	simm.s32 $0x1BFF;
	s21 =	sshll.u32 s8, $0x1;
	s5 =	sadd.s32 s6, s19  }
0x9e: {  	s9 =	simm.s32 $0x0;
	s20 =	sshll.u32 s7, $0x1;
	s7 =	sadd.s32 s21, s5  }
0x9f: {  	[timem:s9], [sflag:s22] =	dma.local [hbm:s7], s20  }
0xa0: {  	_ =	swait.ge [sflag:s22], s20  }
0xa1: {  	s6 =	ssub.s32 $0x0, s20;
	[sflag:s22] =	ssyncset.done $0x0  }
0xa2: {  	[sflag:s22] =	ssyncadd.s32 s6;
	_ =	sdelay $0x1  }
0xa3: {  	s23 =	simm.s32 $0x1B8B  }
0xa4: {  	_ =	swait.ge [sflag:s23], $0x1  }
0xa5: {  	[sflag:s23] =	ssyncset.done $0x0  }
0xa6: {  	s25 =	simm.s32 $0x1B8E;
	s24 =	sld [smem:$0x3FFE];
	[sflag:s23] =	ssyncadd.s32 $0xFFFFFFFF  }
0xa7: {  	s26 =	simm.s32 $execute0_lowered;
	[smem:$0x3FD2] =	sst s25  }
0xa8: {  	s7 =	sshll.u32 s26, $0x1;
	_ =	strace $0x80000046;
	[dreg:$0x1] =	wrdreg $0xFFFFFFFF  }
0xa9: {  	s28 =	simm.s32 $_size_execute0_lowered;
	s5 =	sadd.s32 s5, s7;
	[dreg:$0x0] =	wrdreg $0x0  }
0xaa: {  	s7 =	sshll.u32 s28, $0x1;
	[dreg:$0x2] =	wrdreg s5  }
0xab: {  	[dreg:$0x3] =	wrdreg s7  }
0xac: {  	[dreg:$0x4] =	wrdreg $0xC0  }
0xad: {  	_ =	task [dreg:s9], $0x5FFFF  }
0xae: {  	[dreg:$0x1] =	wrdreg $0xFFFFFFFF  }
0xaf: {  	[dreg:$0x0] =	wrdreg $0x60  }
0xb0: {  	[dreg:$0x2] =	wrdreg s24  }
0xb1: {  	[dreg:$0x3] =	wrdreg s2  }
0xb2: {  	[dreg:$0x4] =	wrdreg s18  }
0xb3: {  	[dreg:$0x5] =	wrdreg s4  }
0xb4: {  	[dreg:$0x6] =	wrdreg $0x9  }
0xb5: {  	_ =	task.clear_ibuf [dreg:s9], $0x7FFFF;
	_ =	strace $0x90000046  }
0xb6: {  	s29 =	simm.s32 $0x9;
	_ =	strace $0x80000048  }
0xb7: {  	_ =	swait.ge [sflag:s29], $0x1  }
0xb8: {  	[sflag:s29] =	ssyncadd.s32 $0xFFFFFFFF  }
0xb9: {  	_ =	strace $0x90000048  }
0xba: {  	_ =	sfence  }
0xbb: {  	s30 =	sld [smem:$0x0];
	_ =	sdelay $0x2  }
0xbc: {  	s31 =	sshll.u32 s1, $0xD;
	s1 =	sshrl.u32 s1, $0x2  }
0xbd: {  	s3 =	sand.u32 $0x4000, s31;
	s1 =	sadd.s32 s1, s30  }
0xbe: {  	s0 =	sor.u32 s3, s0;
	s1 =	sshll.u32 s1, $0x11  }
0xbf: {  	s0 =	sor.u32 s1, s0  }
0xc0: {  	s0 =	sadd.s32 $0x8F2B, s0  }
0xc1: {  	[sflag:s0] =	ssyncadd.remote.s32 $0x1  }
0xc2: {  	_ =	sfence.sel $0xFFFF  }
0xc3: {  	[dreg:$0x0] =	wrdreg $0xFFFFFFFF;
	(pc) =	sbr.abs _section_cstart, $3  }
0xc4: {  	[dreg:$0x1] =	wrdreg $0xFFFFFFFF  }
0xc5: {  	_ =	task.clear_ibuf [dreg:s9], $0x2FFFF;
	_ =	strace $0x9FFFFFFF  }
0xc6: {  	(tm) =	ssettm $0x7FFFFFFF  }
0xc7: {  	_ =	shalt  }
tec
execute0_lowered:
.L_overlay_start_1:
0x0: {  	(tag) =	ssettag $0x1  }
0x1: {  	v0 =	vimm.s32 $0xB80  }
0x2: {  	vm14 =	vcmask $0x300;
	vm13 =	vcmask $0x704;
	vm12 =	vcmask $0xB08  }
0x3: {  	vm11 =	vcmask $0xF0C;
	vm10 =	vcmask $0x1310;
	vm9 =	vcmask $0x1714  }
0x4: {  	vm8 =	vcmask $0x1B18;
	vm7 =	vcmask $0x1F1C;
	vm6 =	vcmask $0x2320  }
0x5: {  	vm5 =	vcmask $0x2724;
	vm4 =	vcmask $0x2B28;
	vm2 =	vcmask $0x2F2C  }
0x6: {  	v8 =	vlaneseq.u32;
	vm3 =	vcmask $0x3330;
	vm1 =	vcmask $0x3734  }
0x7: {  	vm0 =	vcmask $0x3B38;
	v10 =	vimm.s32 $0x1B80;
	v11 =	vimm.s32 $0x2B80  }
0x8: {  	v12 =	vimm.s32 $0x3B80;
	v0 =	vsel vm14, $0x0, v0;
	v10 =	vsel vm14, $0x1000, v10  }
0x9: {  	v11 =	vsel vm14, $0x2000, v11;
	v12 =	vsel vm14, $0x3000, v12;
	v0 =	vsel vm13, $0x80, v0  }
0xa: {  	v10 =	vsel vm13, $0x1080, v10;
	v11 =	vsel vm13, $0x2080, v11;
	v12 =	vsel vm13, $0x3080, v12  }
0xb: {  	s1 =	rddreg [dreg:$0x0];
	v0 =	vsel vm12, $0x100, v0;
	v10 =	vsel vm12, $0x1100, v10;
	v11 =	vsel vm12, $0x2100, v11  }
0xc: {  	s0 =	rddreg [dreg:$0x1];
	v12 =	vsel vm12, $0x3100, v12;
	v1 =	vsel vm11, $0x180, v0;
	v0 =	vimm.s32 $0x1  }
0xd: {  	s2 =	rddreg [dreg:$0x2];
	v10 =	vsel vm11, $0x1180, v10;
	v11 =	vsel vm11, $0x2180, v11;
	v12 =	vsel vm11, $0x3180, v12  }
0xe: {  	s3 =	srdreg.scid;
	s8 =	stileid.u32;
	s10 =	simm.s32 $0x400;
	v2 =	vsel vm10, $0x200, v1;
	v1 =	vimm.s32 $0x2;
	v10 =	vsel vm10, $0x1200, v10  }
0xf: {  	s4 =	rddreg [dreg:$0x3];
	s11 =	simm.s32 $0x7A1400;
	s12 =	simm.s32 $0x8100;
	v11 =	vsel vm10, $0x2200, v11;
	v12 =	vsel vm10, $0x3200, v12;
	v3 =	vsel vm9, $0x280, v2  }
0x10: {  	s13 =	simm.s32 $0xA100;
	s19 =	simm.s32 $0xC100;
	s20 =	simm.s32 $0x10100;
	v2 =	vimm.s32 $0x3;
	v10 =	vsel vm9, $0x1280, v10;
	v11 =	vsel vm9, $0x2280, v11  }
0x11: {  	s15 =	simm.s32 $0x4100;
	s16 =	simm.s32 $0x6100;
	s28 =	simm.s32 $0x1;
	v12 =	vsel vm9, $0x3280, v12;
	v4 =	vsel vm8, $0x300, v3;
	v3 =	vimm.s32 $0x4  }
0x12: {  	s29 =	simm.s32 $0x2;
	s30 =	simm.s32 $0x3;
	s31 =	simm.s32 $0x4;
	v10 =	vsel vm8, $0x1300, v10;
	v11 =	vsel vm8, $0x2300, v11;
	v12 =	vsel vm8, $0x3300, v12  }
0x13: {  	s17 =	simm.s32 $0x8100;
	s18 =	simm.s32 $0xA100;
	s14 =	simm.s32 $0x2100;
	v5 =	vsel vm7, $0x380, v4;
	v4 =	vimm.s32 $0x5;
	v10 =	vsel vm7, $0x1380, v10  }
0x14: {  	s5 =	sand.u32 $0x1, s3;
	s6 =	sshll.u32 s8, $0x1;
	s3 =	simm.s32 $0x0;
	v11 =	vsel vm7, $0x2380, v11;
	v12 =	vsel vm7, $0x3380, v12;
	v6 =	vsel vm6, $0x800, v5  }
0x15: {  	s8 =	sshll.u32 s8, $0xF;
	s6 =	sor.u32 s5, s6;
	[smem:$0x7FF] =	sst s3;
	v5 =	vimm.s32 $0x6;
	v10 =	vsel vm6, $0x1800, v10;
	v11 =	vsel vm6, $0x2800, v11  }
0x16: {  	s24 =	ssub.s32 $0x2, s5;
	s7 =	sshll.u32 s6, $0x5;
	_ =	strace $0x80000047;
	v12 =	vsel vm6, $0x3800, v12;
	v7 =	vsel vm5, $0x880, v6;
	v6 =	vimm.s32 $0x7  }
0x17: {  	s25 =	sshll.u32 s6, $0xB;
	s9 =	sshrl.u32 s24, $0x1;
	s6 =	sshll.u32 s6, $0x8;
	v10 =	vsel vm5, $0x1880, v10;
	v11 =	vsel vm5, $0x2880, v11;
	v12 =	vsel vm5, $0x3880, v12  }
0x18: {  	s7 =	sadd.s32 s7, s1;
	s1 =	sadd.s32 $0x800, s1;
	s5 =	sor.u32 s8, s25;
	v7 =	vsel vm4, $0x900, v7;
	v10 =	vsel vm4, $0x1900, v10;
	v11 =	vsel vm4, $0x2900, v11  }
0x19: {  	s6 =	sand.u32 $0x700, s6;
	s8 =	simm.s32 $0x4100;
	s25 =	simm.s32 $0x12100;
	v12 =	vsel vm4, $0x3900, v12;
	v9 =	vsel vm2, $0x980, v7;
	v7 =	vmul.u32 $0x80, v8  }
0x1a: {  	[dreg:$0x5] =	wrdreg s1;
	s1 =	ssub.s32 s24, s9;
	s7 =	sadd.s32 $0x400, s7;
	v10 =	vsel vm2, $0x1980, v10;
	v11 =	vsel vm2, $0x2980, v11;
	v12 =	vsel vm2, $0x3980, v12  }
0x1b: {  	s5 =	sand.u32 $0x63800, s5;
	s2 =	sadd.s32 s2, s6;
	[dreg:$0x6] =	wrdreg s7;
	v8 =	vsel vm3, $0xA00, v9;
	v10 =	vsel vm3, $0x1A00, v10;
	v13 =	vsel vm3, $0x2A00, v11  }
0x1c: {  	s6 =	simm.s32 $0x9;
	s9 =	simm.s32 $0x6100;
	[dreg:$0x7] =	wrdreg s2;
	v12 =	vsel vm3, $0x3A00, v12;
	v8 =	vsel vm1, $0xA80, v8;
	v9 =	vor.u32 $0x800, v7  }
0x1d: {  	s26 =	sshrl.u32 s5, $0x3;
	s1 =	smax.u32 s1, $0x1;
	s5 =	simm.s32 $0x0;
	v10 =	vsel vm1, $0x1A80, v10;
	v11 =	vor.u32 $0x1000, v7;
	v13 =	vsel vm1, $0x2A80, v13  }
0x1e: {  	s2 =	sadd.s32 s4, s26;
	[dreg:$0x9] =	wrdreg s1;
	s1 =	simm.s32 $0x100;
	v14 =	vsel vm1, $0x3A80, v12;
	v8 =	vsel vm0, $0xB00, v8;
	v10 =	vsel vm0, $0x1B00, v10  }
0x1f: {  	s26 =	simm.s32 $0xE100;
	[dreg:$0x8] =	wrdreg s2;
	s2 =	simm.s32 $0x2100;
	v12 =	vsel vm0, $0x2B00, v13;
	v13 =	vor.u32 $0x1800, v7;
	v14 =	vsel vm0, $0x3B00, v14  }
.LBB2_1:
0x20: {  	[dreg:$0xa] =	wrdreg s5  }
0x21: {  	s4 =	rddreg [dreg:$0x6]  }
0x22: {  	[tilespmem:s3], [sflag:$0x9] =	stream.linear.gather [hbm4b:s4+s3], $0x100, $0x38;
	[tilespmem:$0x1A100] =	vst v63  }
0x23: {  	_ =	swait.ge [sflag:s6], $0x100  }
0x24: {  	[sflag:s6] =	ssyncset.done $0x0  }
0x25: {  	[sflag:s6] =	ssyncadd.s32 $0xFFFFFF00  }
0x26: {  	v15 =	vld.msk [tilespmem:s3+$0x0], $0xffff;
	_ =	sdelay $0x4  }
0x27: {  	(v2sf) =	vpush v15, $0x0;
	_ =	sdelay $0xe  }
0x28: {  	s4 =	spop (v2sf)  }
0x29: {  	s7 =	sshrl.u32 s4, $0x7  }
0x2a: {  	s5 =	smin.u32 s7, $0x1E83  }
0x2b: {  	s5 =	sshll.u32 s5, $0x7  }
0x2c: {  	s5 =	sadd.s32 s0, s5  }
0x2d: {  	[tilespmem:s1], [sflag:$0x1] =	stream.strided.gather [hbm4b:s5+s10], $0x2000, s11, s10, $0x38;
	[tilespmem:$0x1A100] =	vst v63  }
0x2e: {  	v15 =	vld.idx.msk [tilespmem:v0+s3+$0x0], $0xffff;
	_ =	sdelay $0x4  }
0x2f: {  	(v2sf) =	vpush v15, $0x0;
	_ =	sdelay $0xe  }
0x30: {  	s5 =	spop (v2sf)  }
0x31: {  	s21 =	sshrl.u32 s5, $0x7  }
0x32: {  	s6 =	smin.u32 s21, $0x1E83  }
0x33: {  	s6 =	sshll.u32 s6, $0x7  }
0x34: {  	s6 =	sadd.s32 s0, s6  }
0x35: {  	[tilespmem:s2], [sflag:$0x2] =	stream.strided.gather [hbm4b:s6+s10], $0x2000, s11, s10, $0x38;
	[tilespmem:$0x1A100] =	vst v63  }
0x36: {  	v15 =	vld.idx.msk [tilespmem:v1+s3+$0x0], $0xffff;
	_ =	sdelay $0x4  }
0x37: {  	(v2sf) =	vpush v15, $0x0;
	_ =	sdelay $0xe  }
0x38: {  	s6 =	spop (v2sf)  }
0x39: {  	s7 =	sshrl.u32 s6, $0x7  }
0x3a: {  	s7 =	smin.u32 s7, $0x1E83  }
0x3b: {  	s7 =	sshll.u32 s7, $0x7  }
0x3c: {  	s7 =	sadd.s32 s0, s7  }
0x3d: {  	[tilespmem:s8], [sflag:$0x3] =	stream.strided.gather [hbm4b:s7+s10], $0x2000, s11, s10, $0x38;
	[tilespmem:$0x1A100] =	vst v63  }
0x3e: {  	v15 =	vld.idx.msk [tilespmem:v2+s3+$0x0], $0xffff;
	_ =	sdelay $0x4  }
0x3f: {  	(v2sf) =	vpush v15, $0x0;
	_ =	sdelay $0xe  }
0x40: {  	s7 =	spop (v2sf)  }
0x41: {  	s22 =	sshrl.u32 s7, $0x7  }
0x42: {  	s8 =	smin.u32 s22, $0x1E83  }
0x43: {  	s8 =	sshll.u32 s8, $0x7  }
0x44: {  	s8 =	sadd.s32 s0, s8  }
0x45: {  	[tilespmem:s9], [sflag:$0x4] =	stream.strided.gather [hbm4b:s8+s10], $0x2000, s11, s10, $0x38;
	[tilespmem:$0x1A100] =	vst v63  }
0x46: {  	v15 =	vld.idx.msk [tilespmem:v3+s3+$0x0], $0xffff;
	_ =	sdelay $0x4  }
0x47: {  	(v2sf) =	vpush v15, $0x0;
	_ =	sdelay $0xe  }
0x48: {  	s8 =	spop (v2sf)  }
0x49: {  	s23 =	sshrl.u32 s8, $0x7  }
0x4a: {  	s9 =	smin.u32 s23, $0x1E83  }
0x4b: {  	s9 =	sshll.u32 s9, $0x7  }
0x4c: {  	s9 =	sadd.s32 s0, s9  }
0x4d: {  	[tilespmem:s12], [sflag:$0x5] =	stream.strided.gather [hbm4b:s9+s10], $0x2000, s11, s10, $0x38;
	[tilespmem:$0x1A100] =	vst v63  }
0x4e: {  	v15 =	vld.idx.msk [tilespmem:v4+s3+$0x0], $0xffff;
	_ =	sdelay $0x4  }
0x4f: {  	(v2sf) =	vpush v15, $0x0;
	_ =	sdelay $0xe  }
0x50: {  	s22 =	spop (v2sf)  }
0x51: {  	s24 =	sshrl.u32 s22, $0x7  }
0x52: {  	s9 =	smin.u32 s24, $0x1E83  }
0x53: {  	s9 =	sshll.u32 s9, $0x7  }
0x54: {  	s9 =	sadd.s32 s0, s9  }
0x55: {  	[tilespmem:s13], [sflag:$0x6] =	stream.strided.gather [hbm4b:s9+s10], $0x2000, s11, s10, $0x38;
	[tilespmem:$0x1A100] =	vst v63  }
0x56: {  	v15 =	vld.idx.msk [tilespmem:v5+s3+$0x0], $0xffff;
	_ =	sdelay $0x4  }
0x57: {  	(v2sf) =	vpush v15, $0x0;
	_ =	sdelay $0xe  }
0x58: {  	s9 =	spop (v2sf)  }
0x59: {  	s21 =	sshrl.u32 s9, $0x7  }
0x5a: {  	s21 =	smin.u32 s21, $0x1E83  }
0x5b: {  	s21 =	sshll.u32 s21, $0x7  }
0x5c: {  	s21 =	sadd.s32 s0, s21  }
0x5d: {  	[tilespmem:s19], [sflag:$0x7] =	stream.strided.gather [hbm4b:s21+s10], $0x2000, s11, s10, $0x38;
	[tilespmem:$0x1A100] =	vst v63  }
0x5e: {  	v15 =	vld.idx.msk [tilespmem:v6+s3+$0x0], $0xffff;
	_ =	sdelay $0x4  }
0x5f: {  	(v2sf) =	vpush v15, $0x0;
	_ =	sdelay $0xe  }
0x60: {  	s23 =	spop (v2sf)  }
0x61: {  	s1 =	sshrl.u32 s23, $0x7  }
0x62: {  	s21 =	smin.u32 s1, $0x1E83  }
0x63: {  	s21 =	sshll.u32 s21, $0x7  }
0x64: {  	s21 =	sadd.s32 s0, s21  }
0x65: {  	[tilespmem:s26], [sflag:$0x8] =	stream.strided.gather [hbm4b:s21+s10], $0x2000, s11, s10, $0x38;
	[tilespmem:$0x1A100] =	vst v63  }
0x66: {  	s12 =	rddreg [dreg:$0x5];
	s24 =	simm.s32 $0x9  }
0x67: {  	[tilespmem:s20], [sflag:$0x9] =	stream.linear.gather [hbm4b:s12+s3], $0x2000, $0x38;
	[tilespmem:$0x1A100] =	vst v63  }
0x68: {  	_ =	swait.ge [sflag:s24], $0x2000  }
0x69: {  	s1 =	simm.s32 $0x4000;
	s26 =	simm.s32 $0x16100;
	[sflag:s24] =	ssyncset.done $0x0  }
0x6a: {  	s21 =	rddreg [dreg:$0x7];
	[sflag:s24] =	ssyncadd.s32 $0xFFFFE000;
	s24 =	simm.s32 $0x800  }
0x6b: {  	[tilespmem:s26], [sflag:$0x9] =	stream.strided.gather [hbm4b:s21+s24], $0x4000, s1, s24, $0x38;
	[tilespmem:$0x1A100] =	vst v63  }
0x6c: {  	s26 =	simm.s32 $0x9  }
0x6d: {  	s2 =	simm.s32 $0x5;
	_ =	swait.ge [sflag:s26], $0x4000  }
0x6e: {  	s13 =	simm.s32 $0x100;
	s19 =	simm.s32 $0xC100;
	[sflag:s26] =	ssyncset.done $0x0  }
0x6f: {  	s12 =	simm.s32 $0xE100;
	s21 =	simm.s32 $0x0;
	[sflag:s26] =	ssyncadd.s32 $0xFFFFC000  }
.LBB2_2:
0x70: {  	s24 =	sshra.s32 s4, $0x1F  }
0x71: {  	s24 =	sshrl.u32 s24, $0x19  }
0x72: {  	s24 =	sadd.s32 s24, s4  }
0x73: {  	s24 =	sand.u32 $0xFFFFFF80, s24  }
0x74: {  	s24 =	ssub.s32 s4, s24  }
0x75: {  	v15 =	vmov s24  }
0x76: {  	vm0 =	vlt.s32 v15, $0x3F  }
0x77: {  	v16 =	vadd.s32 s24, v7;
	v15 =	vnsel vm0, $0x3F, v15  }
0x78: {  	v17 =	vadd.s32 v7, v15  }
0x79: {  	_ =	swait.ge [sflag:s28], $0x2000  }
0x7a: {  	v18 =	vmov s21;
	[sflag:s28] =	ssyncset.done $0x0  }
0x7b: {  	v19 =	vshll.u32 v18, $0x3;
	[sflag:s28] =	ssyncadd.s32 $0xFFFFE000  }
0x7c: {  	v18 =	vand.u32 $0x78, v18;
	v19 =	vand.u32 $0x400, v19;
	v16 =	vld.idx.msk [tilespmem:v16+s13+$0x0], $0xffff  }
0x7d: {  	v18 =	vor.u32 v18, v19;
	v17 =	vld.idx.msk [tilespmem:v17+s20+$0x0], $0xffff  }
0x7e: {  	v19 =	vor.u32 v8, v18  }
0x7f: {  	v20 =	vadd.s32 s24, v9  }
0x80: {  	v21 =	vadd.s32 v9, v15  }
0x81: {  	p0 =	slt.u32 s4, $0xF4200  }
0x82: {  	v16 =	vpsel p0, v16, v17  }
0x83: {  	[tilespmem:v19+s25+$0x0] =	vst.idx.msk $0xffff, v16  }
0x84: {  	v16 =	vld.idx.msk [tilespmem:v20+s13+$0x0], $0xffff  }
0x85: {  	v30 =	vld.idx.msk [tilespmem:v21+s20+$0x0], $0xffff  }
0x86: {  	v31 =	vor.u32 v10, v18  }
0x87: {  	v32 =	vadd.s32 s24, v11  }
0x88: {  	v33 =	vadd.s32 v11, v15;
	_ =	sdelay $0x1  }
0x89: {  	v16 =	vpsel p0, v16, v30  }
0x8a: {  	[tilespmem:v31+s25+$0x0] =	vst.idx.msk $0xffff, v16  }
0x8b: {  	v16 =	vld.idx.msk [tilespmem:v32+s13+$0x0], $0xffff  }
0x8c: {  	v34 =	vld.idx.msk [tilespmem:v33+s20+$0x0], $0xffff  }
0x8d: {  	v35 =	vor.u32 v12, v18  }
0x8e: {  	v36 =	vadd.s32 s24, v13  }
0x8f: {  	v15 =	vadd.s32 v13, v15;
	_ =	sdelay $0x1  }
0x90: {  	v16 =	vpsel p0, v16, v34  }
0x91: {  	[tilespmem:v35+s25+$0x0] =	vst.idx.msk $0xffff, v16  }
0x92: {  	v16 =	vld.idx.msk [tilespmem:v36+s13+$0x0], $0xffff  }
0x93: {  	s1 =	smin.u32 s21, $0xF7;
	v15 =	vld.idx.msk [tilespmem:v15+s20+$0x0], $0xffff  }
0x94: {  	v37 =	vor.u32 v14, v18;
	s4 =	sadd.s32 $0x8, s1  }
0x95: {  	v38 =	vmov s4;
	_ =	sdelay $0x2  }
0x96: {  	v15 =	vpsel p0, v16, v15  }
0x97: {  	[tilespmem:v37+s25+$0x0] =	vst.idx.msk $0xffff, v15  }
0x98: {  	v15 =	vld.idx.msk [tilespmem:v38+s3+$0x0], $0xffff;
	_ =	sdelay $0x4  }
0x99: {  	(v2sf) =	vpush v15, $0x0;
	_ =	sdelay $0xb  }
0x9a: {  	s24 =	sshra.s32 s5, $0x1F  }
0x9b: {  	s4 =	sshrl.u32 s24, $0x19  }
0x9c: {  	s4 =	sadd.s32 s4, s5  }
0x9d: {  	s26 =	sand.u32 $0xFFFFFF80, s4;
	s4 =	spop (v2sf)  }
0x9e: {  	s24 =	ssub.s32 s5, s26;
	s26 =	sshrl.u32 s4, $0x7  }
0x9f: {  	v15 =	vmov s24;
	s26 =	smin.u32 s26, $0x1E83  }
0xa0: {  	vm9 =	vlt.s32 v15, $0x3F;
	s26 =	sshll.u32 s26, $0x7  }
0xa1: {  	v39 =	vadd.s32 s24, v7;
	v15 =	vnsel vm9, $0x3F, v15;
	s26 =	sadd.s32 s0, s26  }
0xa2: {  	v40 =	vadd.s32 v7, v15;
	[tilespmem:s13], [sflag:$0x1] =	stream.strided.gather [hbm4b:s26+s10], $0x2000, s11, s10, $0x38;
	[tilespmem:$0x1A100] =	vst v63  }
0xa3: {  	s1 =	sadd.s32 $0x1, s21;
	_ =	swait.ge [sflag:s29], $0x2000  }
0xa4: {  	v41 =	vmov s1;
	[sflag:s29] =	ssyncset.done $0x0  }
0xa5: {  	v42 =	vshll.u32 v41, $0x3;
	[sflag:s29] =	ssyncadd.s32 $0xFFFFE000  }
0xa6: {  	v18 =	vand.u32 $0x79, v41;
	v19 =	vand.u32 $0x400, v42;
	v16 =	vld.idx.msk [tilespmem:v39+s14+$0x0], $0xffff  }
0xa7: {  	v18 =	vor.u32 v18, v19;
	v17 =	vld.idx.msk [tilespmem:v40+s20+$0x0], $0xffff  }
0xa8: {  	v19 =	vor.u32 v8, v18  }
0xa9: {  	v43 =	vadd.s32 s24, v9  }
0xaa: {  	v44 =	vadd.s32 v9, v15  }
0xab: {  	p6 =	slt.u32 s5, $0xF4200  }
0xac: {  	v16 =	vpsel p6, v16, v17  }
0xad: {  	[tilespmem:v19+s25+$0x0] =	vst.idx.msk $0xffff, v16  }
0xae: {  	v16 =	vld.idx.msk [tilespmem:v43+s14+$0x0], $0xffff  }
0xaf: {  	v45 =	vld.idx.msk [tilespmem:v44+s20+$0x0], $0xffff  }
0xb0: {  	v46 =	vor.u32 v10, v18  }
0xb1: {  	v47 =	vadd.s32 s24, v11  }
0xb2: {  	v48 =	vadd.s32 v11, v15;
	_ =	sdelay $0x1  }
0xb3: {  	v16 =	vpsel p6, v16, v45  }
0xb4: {  	[tilespmem:v46+s25+$0x0] =	vst.idx.msk $0xffff, v16  }
0xb5: {  	v16 =	vld.idx.msk [tilespmem:v47+s14+$0x0], $0xffff  }
0xb6: {  	v49 =	vld.idx.msk [tilespmem:v48+s20+$0x0], $0xffff  }
0xb7: {  	v50 =	vor.u32 v12, v18  }
0xb8: {  	v51 =	vadd.s32 s24, v13  }
0xb9: {  	v15 =	vadd.s32 v13, v15;
	_ =	sdelay $0x1  }
0xba: {  	v16 =	vpsel p6, v16, v49  }
0xbb: {  	[tilespmem:v50+s25+$0x0] =	vst.idx.msk $0xffff, v16  }
0xbc: {  	v16 =	vld.idx.msk [tilespmem:v51+s14+$0x0], $0xffff  }
0xbd: {  	s1 =	smin.u32 s21, $0xF6;
	v15 =	vld.idx.msk [tilespmem:v15+s20+$0x0], $0xffff  }
0xbe: {  	s5 =	sadd.s32 $0x9, s1;
	v52 =	vor.u32 v14, v18  }
0xbf: {  	v53 =	vmov s5;
	_ =	sdelay $0x2  }
0xc0: {  	v15 =	vpsel p6, v16, v15  }
0xc1: {  	[tilespmem:v52+s25+$0x0] =	vst.idx.msk $0xffff, v15  }
0xc2: {  	v15 =	vld.idx.msk [tilespmem:v53+s3+$0x0], $0xffff;
	_ =	sdelay $0x4  }
0xc3: {  	(v2sf) =	vpush v15, $0x0;
	_ =	sdelay $0xb  }
0xc4: {  	s24 =	sshra.s32 s6, $0x1F  }
0xc5: {  	s5 =	sshrl.u32 s24, $0x19  }
0xc6: {  	s5 =	sadd.s32 s5, s6  }
0xc7: {  	s26 =	sand.u32 $0xFFFFFF80, s5;
	s5 =	spop (v2sf)  }
0xc8: {  	s24 =	ssub.s32 s6, s26;
	s1 =	sshrl.u32 s5, $0x7  }
0xc9: {  	v15 =	vmov s24;
	s26 =	smin.u32 s1, $0x1E83  }
0xca: {  	vm10 =	vlt.s32 v15, $0x3F;
	s26 =	sshll.u32 s26, $0x7  }
0xcb: {  	v54 =	vadd.s32 s24, v7;
	v15 =	vnsel vm10, $0x3F, v15;
	s26 =	sadd.s32 s0, s26  }
0xcc: {  	v55 =	vadd.s32 v7, v15;
	[tilespmem:s14], [sflag:$0x2] =	stream.strided.gather [hbm4b:s26+s10], $0x2000, s11, s10, $0x38;
	[tilespmem:$0x1A100] =	vst v63  }
0xcd: {  	s1 =	sadd.s32 $0x2, s21;
	_ =	swait.ge [sflag:s30], $0x2000  }
0xce: {  	v56 =	vmov s1;
	[sflag:s30] =	ssyncset.done $0x0  }
0xcf: {  	v57 =	vshll.u32 v56, $0x3;
	[sflag:s30] =	ssyncadd.s32 $0xFFFFE000  }
0xd0: {  	v18 =	vand.u32 $0x7A, v56;
	v19 =	vand.u32 $0x400, v57;
	v16 =	vld.idx.msk [tilespmem:v54+s15+$0x0], $0xffff  }
0xd1: {  	v18 =	vor.u32 v18, v19;
	v17 =	vld.idx.msk [tilespmem:v55+s20+$0x0], $0xffff  }
0xd2: {  	v19 =	vor.u32 v8, v18  }
0xd3: {  	v58 =	vadd.s32 s24, v9  }
0xd4: {  	v59 =	vadd.s32 v9, v15  }
0xd5: {  	p1 =	slt.u32 s6, $0xF4200  }
0xd6: {  	v16 =	vpsel p1, v16, v17  }
0xd7: {  	[tilespmem:v19+s25+$0x0] =	vst.idx.msk $0xffff, v16  }
0xd8: {  	v16 =	vld.idx.msk [tilespmem:v58+s15+$0x0], $0xffff  }
0xd9: {  	v60 =	vld.idx.msk [tilespmem:v59+s20+$0x0], $0xffff  }
0xda: {  	v61 =	vor.u32 v10, v18  }
0xdb: {  	v62 =	vadd.s32 s24, v11  }
0xdc: {  	v63 =	vadd.s32 v11, v15;
	_ =	sdelay $0x1  }
0xdd: {  	v16 =	vpsel p1, v16, v60  }
0xde: {  	[tilespmem:v61+s25+$0x0] =	vst.idx.msk $0xffff, v16  }
0xdf: {  	v16 =	vld.idx.msk [tilespmem:v62+s15+$0x0], $0xffff  }
0xe0: {  	v24 =	vld.idx.msk [tilespmem:v63+s20+$0x0], $0xffff  }
0xe1: {  	v25 =	vor.u32 v12, v18  }
0xe2: {  	v26 =	vadd.s32 s24, v13  }
0xe3: {  	v15 =	vadd.s32 v13, v15;
	_ =	sdelay $0x1  }
0xe4: {  	v16 =	vpsel p1, v16, v24  }
0xe5: {  	[tilespmem:v25+s25+$0x0] =	vst.idx.msk $0xffff, v16  }
0xe6: {  	v16 =	vld.idx.msk [tilespmem:v26+s15+$0x0], $0xffff  }
0xe7: {  	s1 =	smin.u32 s21, $0xF5;
	v15 =	vld.idx.msk [tilespmem:v15+s20+$0x0], $0xffff  }
0xe8: {  	s6 =	sadd.s32 $0xA, s1;
	v27 =	vor.u32 v14, v18  }
0xe9: {  	v28 =	vmov s6;
	_ =	sdelay $0x2  }
0xea: {  	v15 =	vpsel p1, v16, v15  }
0xeb: {  	[tilespmem:v27+s25+$0x0] =	vst.idx.msk $0xffff, v15  }
0xec: {  	v15 =	vld.idx.msk [tilespmem:v28+s3+$0x0], $0xffff;
	_ =	sdelay $0x4  }
0xed: {  	(v2sf) =	vpush v15, $0x0;
	_ =	sdelay $0xb  }
0xee: {  	s24 =	sshra.s32 s7, $0x1F  }
0xef: {  	s6 =	sshrl.u32 s24, $0x19  }
0xf0: {  	s6 =	sadd.s32 s6, s7  }
0xf1: {  	s26 =	sand.u32 $0xFFFFFF80, s6;
	s6 =	spop (v2sf)  }
0xf2: {  	s24 =	ssub.s32 s7, s26;
	s1 =	sshrl.u32 s6, $0x7  }
0xf3: {  	v15 =	vmov s24;
	s26 =	smin.u32 s1, $0x1E83  }
0xf4: {  	vm11 =	vlt.s32 v15, $0x3F;
	s26 =	sshll.u32 s26, $0x7  }
0xf5: {  	v29 =	vadd.s32 s24, v7;
	v15 =	vnsel vm11, $0x3F, v15;
	s26 =	sadd.s32 s0, s26  }
0xf6: {  	v30 =	vadd.s32 v7, v15;
	[tilespmem:s15], [sflag:$0x3] =	stream.strided.gather [hbm4b:s26+s10], $0x2000, s11, s10, $0x38;
	[tilespmem:$0x1A100] =	vst v63  }
0xf7: {  	s1 =	sadd.s32 $0x3, s21;
	_ =	swait.ge [sflag:s31], $0x2000  }
0xf8: {  	v31 =	vmov s1;
	[sflag:s31] =	ssyncset.done $0x0  }
0xf9: {  	v32 =	vshll.u32 v31, $0x3;
	[sflag:s31] =	ssyncadd.s32 $0xFFFFE000  }
0xfa: {  	v18 =	vand.u32 $0x7B, v31;
	v19 =	vand.u32 $0x400, v32;
	v16 =	vld.idx.msk [tilespmem:v29+s16+$0x0], $0xffff  }
0xfb: {  	v18 =	vor.u32 v18, v19;
	v17 =	vld.idx.msk [tilespmem:v30+s20+$0x0], $0xffff  }
0xfc: {  	v19 =	vor.u32 v8, v18  }
0xfd: {  	v33 =	vadd.s32 s24, v9  }
0xfe: {  	v34 =	vadd.s32 v9, v15  }
0xff: {  	p2 =	slt.u32 s7, $0xF4200  }
0x100: {  	v16 =	vpsel p2, v16, v17  }
0x101: {  	[tilespmem:v19+s25+$0x0] =	vst.idx.msk $0xffff, v16  }
0x102: {  	v16 =	vld.idx.msk [tilespmem:v33+s16+$0x0], $0xffff  }
0x103: {  	v35 =	vld.idx.msk [tilespmem:v34+s20+$0x0], $0xffff  }
0x104: {  	v36 =	vor.u32 v10, v18  }
0x105: {  	v37 =	vadd.s32 s24, v11  }
0x106: {  	v38 =	vadd.s32 v11, v15;
	_ =	sdelay $0x1  }
0x107: {  	v16 =	vpsel p2, v16, v35  }
0x108: {  	[tilespmem:v36+s25+$0x0] =	vst.idx.msk $0xffff, v16  }
0x109: {  	v16 =	vld.idx.msk [tilespmem:v37+s16+$0x0], $0xffff  }
0x10a: {  	v39 =	vld.idx.msk [tilespmem:v38+s20+$0x0], $0xffff  }
0x10b: {  	v40 =	vor.u32 v12, v18  }
0x10c: {  	v41 =	vadd.s32 s24, v13  }
0x10d: {  	v15 =	vadd.s32 v13, v15;
	_ =	sdelay $0x1  }
0x10e: {  	v16 =	vpsel p2, v16, v39  }
0x10f: {  	[tilespmem:v40+s25+$0x0] =	vst.idx.msk $0xffff, v16  }
0x110: {  	v16 =	vld.idx.msk [tilespmem:v41+s16+$0x0], $0xffff  }
0x111: {  	s1 =	smin.u32 s21, $0xF4;
	v15 =	vld.idx.msk [tilespmem:v15+s20+$0x0], $0xffff  }
0x112: {  	s7 =	sadd.s32 $0xB, s1;
	v42 =	vor.u32 v14, v18  }
0x113: {  	v43 =	vmov s7;
	_ =	sdelay $0x2  }
0x114: {  	v15 =	vpsel p2, v16, v15  }
0x115: {  	[tilespmem:v42+s25+$0x0] =	vst.idx.msk $0xffff, v15  }
0x116: {  	v15 =	vld.idx.msk [tilespmem:v43+s3+$0x0], $0xffff;
	_ =	sdelay $0x4  }
0x117: {  	(v2sf) =	vpush v15, $0x0;
	_ =	sdelay $0xb  }
0x118: {  	s24 =	sshra.s32 s8, $0x1F  }
0x119: {  	s7 =	sshrl.u32 s24, $0x19  }
0x11a: {  	s7 =	sadd.s32 s7, s8  }
0x11b: {  	s26 =	sand.u32 $0xFFFFFF80, s7;
	s7 =	spop (v2sf)  }
0x11c: {  	s24 =	ssub.s32 s8, s26;
	s1 =	sshrl.u32 s7, $0x7  }
0x11d: {  	v15 =	vmov s24;
	s26 =	smin.u32 s1, $0x1E83  }
0x11e: {  	vm12 =	vlt.s32 v15, $0x3F;
	s26 =	sshll.u32 s26, $0x7  }
0x11f: {  	v44 =	vadd.s32 s24, v7;
	v15 =	vnsel vm12, $0x3F, v15;
	s26 =	sadd.s32 s0, s26  }
0x120: {  	v45 =	vadd.s32 v7, v15;
	[tilespmem:s16], [sflag:$0x4] =	stream.strided.gather [hbm4b:s26+s10], $0x2000, s11, s10, $0x38;
	[tilespmem:$0x1A100] =	vst v63  }
0x121: {  	s1 =	sadd.s32 $0x4, s21;
	_ =	swait.ge [sflag:s2], $0x2000  }
0x122: {  	v46 =	vmov s1;
	[sflag:s2] =	ssyncset.done $0x0  }
0x123: {  	v47 =	vshll.u32 v46, $0x3;
	[sflag:s2] =	ssyncadd.s32 $0xFFFFE000  }
0x124: {  	v18 =	vand.u32 $0x7C, v46;
	v19 =	vand.u32 $0x400, v47;
	v16 =	vld.idx.msk [tilespmem:v44+s17+$0x0], $0xffff  }
0x125: {  	v18 =	vor.u32 v18, v19;
	v17 =	vld.idx.msk [tilespmem:v45+s20+$0x0], $0xffff  }
0x126: {  	v19 =	vor.u32 v8, v18  }
0x127: {  	v48 =	vadd.s32 s24, v9  }
0x128: {  	v49 =	vadd.s32 v9, v15  }
0x129: {  	p3 =	slt.u32 s8, $0xF4200  }
0x12a: {  	v16 =	vpsel p3, v16, v17  }
0x12b: {  	[tilespmem:v19+s25+$0x0] =	vst.idx.msk $0xffff, v16  }
0x12c: {  	v16 =	vld.idx.msk [tilespmem:v48+s17+$0x0], $0xffff  }
0x12d: {  	v50 =	vld.idx.msk [tilespmem:v49+s20+$0x0], $0xffff  }
0x12e: {  	v51 =	vor.u32 v10, v18  }
0x12f: {  	v52 =	vadd.s32 s24, v11  }
0x130: {  	v53 =	vadd.s32 v11, v15;
	_ =	sdelay $0x1  }
0x131: {  	v16 =	vpsel p3, v16, v50  }
0x132: {  	[tilespmem:v51+s25+$0x0] =	vst.idx.msk $0xffff, v16  }
0x133: {  	v16 =	vld.idx.msk [tilespmem:v52+s17+$0x0], $0xffff  }
0x134: {  	v54 =	vld.idx.msk [tilespmem:v53+s20+$0x0], $0xffff  }
0x135: {  	v55 =	vor.u32 v12, v18  }
0x136: {  	v56 =	vadd.s32 s24, v13  }
0x137: {  	v15 =	vadd.s32 v13, v15;
	_ =	sdelay $0x1  }
0x138: {  	v16 =	vpsel p3, v16, v54  }
0x139: {  	[tilespmem:v55+s25+$0x0] =	vst.idx.msk $0xffff, v16  }
0x13a: {  	v16 =	vld.idx.msk [tilespmem:v56+s17+$0x0], $0xffff  }
0x13b: {  	s1 =	smin.u32 s21, $0xF3;
	v15 =	vld.idx.msk [tilespmem:v15+s20+$0x0], $0xffff  }
0x13c: {  	s8 =	sadd.s32 $0xC, s1;
	v57 =	vor.u32 v14, v18  }
0x13d: {  	v58 =	vmov s8;
	_ =	sdelay $0x2  }
0x13e: {  	v15 =	vpsel p3, v16, v15  }
0x13f: {  	[tilespmem:v57+s25+$0x0] =	vst.idx.msk $0xffff, v15  }
0x140: {  	v15 =	vld.idx.msk [tilespmem:v58+s3+$0x0], $0xffff;
	_ =	sdelay $0x4  }
0x141: {  	(v2sf) =	vpush v15, $0x0;
	_ =	sdelay $0xb  }
0x142: {  	s24 =	sshra.s32 s22, $0x1F  }
0x143: {  	s8 =	sshrl.u32 s24, $0x19  }
0x144: {  	s8 =	sadd.s32 s8, s22  }
0x145: {  	s26 =	sand.u32 $0xFFFFFF80, s8;
	s8 =	spop (v2sf)  }
0x146: {  	s24 =	ssub.s32 s22, s26;
	s1 =	sshrl.u32 s8, $0x7  }
0x147: {  	v15 =	vmov s24;
	s26 =	smin.u32 s1, $0x1E83  }
0x148: {  	vm13 =	vlt.s32 v15, $0x3F;
	s26 =	sshll.u32 s26, $0x7  }
0x149: {  	v59 =	vadd.s32 s24, v7;
	v15 =	vnsel vm13, $0x3F, v15;
	s1 =	simm.s32 $0x6;
	s26 =	sadd.s32 s0, s26  }
0x14a: {  	v60 =	vadd.s32 v7, v15;
	[tilespmem:s17], [sflag:$0x5] =	stream.strided.gather [hbm4b:s26+s10], $0x2000, s11, s10, $0x38;
	[tilespmem:$0x1A100] =	vst v63  }
0x14b: {  	s26 =	sadd.s32 $0x5, s21;
	_ =	swait.ge [sflag:s1], $0x2000  }
0x14c: {  	v61 =	vmov s26;
	[sflag:s1] =	ssyncset.done $0x0  }
0x14d: {  	v62 =	vshll.u32 v61, $0x3;
	[sflag:s1] =	ssyncadd.s32 $0xFFFFE000  }
0x14e: {  	v18 =	vand.u32 $0x7D, v61;
	v19 =	vand.u32 $0x400, v62;
	v16 =	vld.idx.msk [tilespmem:v59+s18+$0x0], $0xffff  }
0x14f: {  	v17 =	vld.idx.msk [tilespmem:v60+s20+$0x0], $0xffff;
	v18 =	vor.u32 v18, v19  }
0x150: {  	v19 =	vor.u32 v8, v18  }
0x151: {  	v63 =	vadd.s32 s24, v9  }
0x152: {  	v24 =	vadd.s32 v9, v15  }
0x153: {  	p4 =	slt.u32 s22, $0xF4200  }
0x154: {  	v16 =	vpsel p4, v16, v17  }
0x155: {  	[tilespmem:v19+s25+$0x0] =	vst.idx.msk $0xffff, v16  }
0x156: {  	v16 =	vld.idx.msk [tilespmem:v63+s18+$0x0], $0xffff  }
0x157: {  	v25 =	vld.idx.msk [tilespmem:v24+s20+$0x0], $0xffff  }
0x158: {  	v26 =	vor.u32 v10, v18  }
0x159: {  	v27 =	vadd.s32 s24, v11  }
0x15a: {  	v28 =	vadd.s32 v11, v15;
	_ =	sdelay $0x1  }
0x15b: {  	v16 =	vpsel p4, v16, v25  }
0x15c: {  	[tilespmem:v26+s25+$0x0] =	vst.idx.msk $0xffff, v16  }
0x15d: {  	v16 =	vld.idx.msk [tilespmem:v27+s18+$0x0], $0xffff  }
0x15e: {  	v29 =	vld.idx.msk [tilespmem:v28+s20+$0x0], $0xffff  }
0x15f: {  	v30 =	vor.u32 v12, v18  }
0x160: {  	v31 =	vadd.s32 s24, v13  }
0x161: {  	v15 =	vadd.s32 v13, v15;
	_ =	sdelay $0x1  }
0x162: {  	v16 =	vpsel p4, v16, v29  }
0x163: {  	[tilespmem:v30+s25+$0x0] =	vst.idx.msk $0xffff, v16  }
0x164: {  	v16 =	vld.idx.msk [tilespmem:v31+s18+$0x0], $0xffff  }
0x165: {  	s1 =	smin.u32 s21, $0xF2;
	v15 =	vld.idx.msk [tilespmem:v15+s20+$0x0], $0xffff  }
0x166: {  	s22 =	sadd.s32 $0xD, s1;
	v32 =	vor.u32 v14, v18  }
0x167: {  	v33 =	vmov s22;
	_ =	sdelay $0x2  }
0x168: {  	v15 =	vpsel p4, v16, v15  }
0x169: {  	[tilespmem:v32+s25+$0x0] =	vst.idx.msk $0xffff, v15  }
0x16a: {  	v15 =	vld.idx.msk [tilespmem:v33+s3+$0x0], $0xffff;
	_ =	sdelay $0x4  }
0x16b: {  	(v2sf) =	vpush v15, $0x0;
	_ =	sdelay $0xb  }
0x16c: {  	s24 =	sshra.s32 s9, $0x1F  }
0x16d: {  	s22 =	sshrl.u32 s24, $0x19  }
0x16e: {  	s22 =	sadd.s32 s22, s9  }
0x16f: {  	s26 =	sand.u32 $0xFFFFFF80, s22;
	s22 =	spop (v2sf)  }
0x170: {  	s24 =	ssub.s32 s9, s26;
	s1 =	sshrl.u32 s22, $0x7  }
0x171: {  	v15 =	vmov s24;
	s26 =	smin.u32 s1, $0x1E83  }
0x172: {  	vm14 =	vlt.s32 v15, $0x3F;
	s26 =	sshll.u32 s26, $0x7  }
0x173: {  	v34 =	vadd.s32 s24, v7;
	v15 =	vnsel vm14, $0x3F, v15;
	s1 =	simm.s32 $0x7;
	s26 =	sadd.s32 s0, s26  }
0x174: {  	v35 =	vadd.s32 v7, v15;
	[tilespmem:s18], [sflag:$0x6] =	stream.strided.gather [hbm4b:s26+s10], $0x2000, s11, s10, $0x38;
	[tilespmem:$0x1A100] =	vst v63  }
0x175: {  	s26 =	sadd.s32 $0x6, s21;
	_ =	swait.ge [sflag:s1], $0x2000  }
0x176: {  	v36 =	vmov s26;
	[sflag:s1] =	ssyncset.done $0x0  }
0x177: {  	v37 =	vshll.u32 v36, $0x3;
	[sflag:s1] =	ssyncadd.s32 $0xFFFFE000  }
0x178: {  	v18 =	vand.u32 $0x7E, v36;
	v19 =	vand.u32 $0x400, v37;
	v16 =	vld.idx.msk [tilespmem:v34+s19+$0x0], $0xffff  }
0x179: {  	v17 =	vld.idx.msk [tilespmem:v35+s20+$0x0], $0xffff;
	v18 =	vor.u32 v18, v19  }
0x17a: {  	v19 =	vor.u32 v8, v18  }
0x17b: {  	v38 =	vadd.s32 s24, v9  }
0x17c: {  	v39 =	vadd.s32 v9, v15  }
0x17d: {  	p5 =	slt.u32 s9, $0xF4200  }
0x17e: {  	v16 =	vpsel p5, v16, v17  }
0x17f: {  	[tilespmem:v19+s25+$0x0] =	vst.idx.msk $0xffff, v16  }
0x180: {  	v16 =	vld.idx.msk [tilespmem:v38+s19+$0x0], $0xffff  }
0x181: {  	v40 =	vld.idx.msk [tilespmem:v39+s20+$0x0], $0xffff  }
0x182: {  	v41 =	vor.u32 v10, v18  }
0x183: {  	v42 =	vadd.s32 s24, v11  }
0x184: {  	v43 =	vadd.s32 v11, v15;
	_ =	sdelay $0x1  }
0x185: {  	v16 =	vpsel p5, v16, v40  }
0x186: {  	[tilespmem:v41+s25+$0x0] =	vst.idx.msk $0xffff, v16  }
0x187: {  	v16 =	vld.idx.msk [tilespmem:v42+s19+$0x0], $0xffff  }
0x188: {  	v44 =	vld.idx.msk [tilespmem:v43+s20+$0x0], $0xffff  }
0x189: {  	v45 =	vor.u32 v12, v18  }
0x18a: {  	v46 =	vadd.s32 s24, v13  }
0x18b: {  	v15 =	vadd.s32 v13, v15;
	_ =	sdelay $0x1  }
0x18c: {  	v16 =	vpsel p5, v16, v44  }
0x18d: {  	[tilespmem:v45+s25+$0x0] =	vst.idx.msk $0xffff, v16  }
0x18e: {  	v16 =	vld.idx.msk [tilespmem:v46+s19+$0x0], $0xffff  }
0x18f: {  	s1 =	smin.u32 s21, $0xF1;
	v15 =	vld.idx.msk [tilespmem:v15+s20+$0x0], $0xffff  }
0x190: {  	s9 =	sadd.s32 $0xE, s1;
	v47 =	vor.u32 v14, v18  }
0x191: {  	v48 =	vmov s9;
	_ =	sdelay $0x2  }
0x192: {  	v15 =	vpsel p5, v16, v15  }
0x193: {  	[tilespmem:v47+s25+$0x0] =	vst.idx.msk $0xffff, v15  }
0x194: {  	v15 =	vld.idx.msk [tilespmem:v48+s3+$0x0], $0xffff;
	_ =	sdelay $0x4  }
0x195: {  	(v2sf) =	vpush v15, $0x0;
	_ =	sdelay $0xb  }
0x196: {  	s24 =	sshra.s32 s23, $0x1F  }
0x197: {  	s9 =	sshrl.u32 s24, $0x19  }
0x198: {  	s9 =	sadd.s32 s9, s23  }
0x199: {  	s26 =	sand.u32 $0xFFFFFF80, s9;
	s9 =	spop (v2sf)  }
0x19a: {  	s24 =	ssub.s32 s23, s26;
	s1 =	sshrl.u32 s9, $0x7  }
0x19b: {  	v15 =	vmov s24;
	s26 =	smin.u32 s1, $0x1E83  }
0x19c: {  	vm15 =	vlt.s32 v15, $0x3F;
	s26 =	sshll.u32 s26, $0x7  }
0x19d: {  	v49 =	vadd.s32 s24, v7;
	v15 =	vnsel vm15, $0x3F, v15;
	s1 =	simm.s32 $0x8;
	s26 =	sadd.s32 s0, s26  }
0x19e: {  	v50 =	vadd.s32 v7, v15;
	[tilespmem:s19], [sflag:$0x7] =	stream.strided.gather [hbm4b:s26+s10], $0x2000, s11, s10, $0x38;
	[tilespmem:$0x1A100] =	vst v63  }
0x19f: {  	s26 =	sadd.s32 $0x7, s21;
	_ =	swait.ge [sflag:s1], $0x2000  }
0x1a0: {  	v51 =	vmov s26;
	[sflag:s1] =	ssyncset.done $0x0  }
0x1a1: {  	v52 =	vshll.u32 v51, $0x3;
	[sflag:s1] =	ssyncadd.s32 $0xFFFFE000  }
0x1a2: {  	v18 =	vand.u32 $0x7F, v51;
	v19 =	vand.u32 $0x400, v52;
	v16 =	vld.idx.msk [tilespmem:v49+s12+$0x0], $0xffff  }
0x1a3: {  	v17 =	vld.idx.msk [tilespmem:v50+s20+$0x0], $0xffff;
	v18 =	vor.u32 v18, v19  }
0x1a4: {  	v19 =	vor.u32 v8, v18  }
0x1a5: {  	v53 =	vadd.s32 s24, v9  }
0x1a6: {  	v54 =	vadd.s32 v9, v15  }
0x1a7: {  	p6 =	slt.u32 s23, $0xF4200  }
0x1a8: {  	v16 =	vpsel p6, v16, v17  }
0x1a9: {  	[tilespmem:v19+s25+$0x0] =	vst.idx.msk $0xffff, v16  }
0x1aa: {  	v16 =	vld.idx.msk [tilespmem:v53+s12+$0x0], $0xffff  }
0x1ab: {  	v55 =	vld.idx.msk [tilespmem:v54+s20+$0x0], $0xffff  }
0x1ac: {  	v56 =	vor.u32 v10, v18  }
0x1ad: {  	v57 =	vadd.s32 s24, v11  }
0x1ae: {  	v58 =	vadd.s32 v11, v15;
	_ =	sdelay $0x1  }
0x1af: {  	v16 =	vpsel p6, v16, v55  }
0x1b0: {  	[tilespmem:v56+s25+$0x0] =	vst.idx.msk $0xffff, v16  }
0x1b1: {  	v16 =	vld.idx.msk [tilespmem:v57+s12+$0x0], $0xffff  }
0x1b2: {  	v59 =	vld.idx.msk [tilespmem:v58+s20+$0x0], $0xffff  }
0x1b3: {  	v60 =	vor.u32 v12, v18  }
0x1b4: {  	v61 =	vadd.s32 s24, v13  }
0x1b5: {  	v15 =	vadd.s32 v13, v15;
	_ =	sdelay $0x1  }
0x1b6: {  	v16 =	vpsel p6, v16, v59  }
0x1b7: {  	[tilespmem:v60+s25+$0x0] =	vst.idx.msk $0xffff, v16  }
0x1b8: {  	v16 =	vld.idx.msk [tilespmem:v61+s12+$0x0], $0xffff  }
0x1b9: {  	s24 =	smin.u32 s21, $0xF0;
	v15 =	vld.idx.msk [tilespmem:v15+s20+$0x0], $0xffff  }
0x1ba: {  	s23 =	sadd.s32 $0xF, s24;
	v62 =	vor.u32 v14, v18  }
0x1bb: {  	v63 =	vmov s23;
	_ =	sdelay $0x2  }
0x1bc: {  	v15 =	vpsel p6, v16, v15  }
0x1bd: {  	[tilespmem:v62+s25+$0x0] =	vst.idx.msk $0xffff, v15  }
0x1be: {  	v15 =	vld.idx.msk [tilespmem:v63+s3+$0x0], $0xffff;
	_ =	sdelay $0x4  }
0x1bf: {  	(v2sf) =	vpush v15, $0x0;
	_ =	sdelay $0xe  }
0x1c0: {  	p0 =	sne.s32 s21, $0xF8;
	s23 =	spop (v2sf)  }
.Ltmp0:
0x1c1: {  	s26 =	sshrl.u32 s23, $0x7;
	(pc) =	sbr.rel @p0 .LBB2_2-.Ltmp0, $4  }
0x1c2: {  	s24 =	smin.u32 s26, $0x1E83  }
0x1c3: {  	s24 =	sshll.u32 s24, $0x7  }
0x1c4: {  	s21 =	sadd.s32 $0x8, s21;
	s24 =	sadd.s32 s0, s24  }
0x1c5: {  	[tilespmem:s12], [sflag:$0x8] =	stream.strided.gather [hbm4b:s24+s10], $0x2000, s11, s10, $0x38;
	[tilespmem:$0x1A100] =	vst v63  }
0x1c6: {  	_ =	swait.ge [sflag:s28], $0x2000  }
0x1c7: {  	[sflag:s28] =	ssyncset.done $0x0  }
0x1c8: {  	[sflag:s28] =	ssyncadd.s32 $0xFFFFE000  }
0x1c9: {  	_ =	swait.ge [sflag:s29], $0x2000  }
0x1ca: {  	[sflag:s29] =	ssyncset.done $0x0  }
0x1cb: {  	[sflag:s29] =	ssyncadd.s32 $0xFFFFE000  }
0x1cc: {  	_ =	swait.ge [sflag:s30], $0x2000  }
0x1cd: {  	[sflag:s30] =	ssyncset.done $0x0  }
0x1ce: {  	[sflag:s30] =	ssyncadd.s32 $0xFFFFE000  }
0x1cf: {  	_ =	swait.ge [sflag:s31], $0x2000  }
0x1d0: {  	[sflag:s31] =	ssyncset.done $0x0  }
0x1d1: {  	[sflag:s31] =	ssyncadd.s32 $0xFFFFE000  }
0x1d2: {  	_ =	swait.ge [sflag:s2], $0x2000  }
0x1d3: {  	[sflag:s2] =	ssyncset.done $0x0  }
0x1d4: {  	s1 =	simm.s32 $0x6;
	[sflag:s2] =	ssyncadd.s32 $0xFFFFE000  }
0x1d5: {  	_ =	swait.ge [sflag:s1], $0x2000  }
0x1d6: {  	[sflag:s1] =	ssyncset.done $0x0  }
0x1d7: {  	s24 =	simm.s32 $0x7;
	[sflag:s1] =	ssyncadd.s32 $0xFFFFE000  }
0x1d8: {  	_ =	swait.ge [sflag:s24], $0x2000  }
0x1d9: {  	[sflag:s24] =	ssyncset.done $0x0  }
0x1da: {  	s26 =	simm.s32 $0x8;
	[sflag:s24] =	ssyncadd.s32 $0xFFFFE000  }
0x1db: {  	s4 =	simm.s32 $0x0;
	_ =	swait.ge [sflag:s26], $0x2000  }
0x1dc: {  	s5 =	sand.u32 $0x3800, s4;
	s4 =	sand.u32 $0x300, s4;
	[sflag:s26] =	ssyncset.done $0x0  }
0x1dd: {  	s4 =	sor.u32 s4, s5;
	[sflag:s26] =	ssyncadd.s32 $0xFFFFE000  }
0x1de: {  	v21 =	vld [tilespmem:s4+$0x16100]  }
0x1df: {  	v22 =	vld [tilespmem:s4+$0x16110]  }
0x1e0: {  	v23 =	vld [tilespmem:s4+$0x16120]  }
0x1e1: {  	v24 =	vld [tilespmem:s4+$0x16130]  }
0x1e2: {  	v25 =	vld [tilespmem:s4+$0x16140]  }
0x1e3: {  	v26 =	vld [tilespmem:s4+$0x16150]  }
0x1e4: {  	v27 =	vld [tilespmem:s4+$0x16160]  }
0x1e5: {  	v28 =	vld [tilespmem:s4+$0x16170]  }
0x1e6: {  	v29 =	vld [tilespmem:s4+$0x16500]  }
0x1e7: {  	v30 =	vld [tilespmem:s4+$0x16510]  }
0x1e8: {  	v31 =	vld [tilespmem:s4+$0x16520]  }
0x1e9: {  	v32 =	vld [tilespmem:s4+$0x16530]  }
0x1ea: {  	v33 =	vld [tilespmem:s4+$0x16540]  }
0x1eb: {  	v34 =	vld [tilespmem:s4+$0x16550]  }
0x1ec: {  	v35 =	vld [tilespmem:s4+$0x16560]  }
0x1ed: {  	v36 =	vld [tilespmem:s4+$0x16570]  }
0x1ee: {  	v37 =	vld [tilespmem:s4+$0x16180]  }
0x1ef: {  	v38 =	vld [tilespmem:s4+$0x16190]  }
0x1f0: {  	v39 =	vld [tilespmem:s4+$0x161A0]  }
0x1f1: {  	v40 =	vld [tilespmem:s4+$0x161B0]  }
0x1f2: {  	v41 =	vld [tilespmem:s4+$0x161C0]  }
0x1f3: {  	v42 =	vld [tilespmem:s4+$0x161D0]  }
0x1f4: {  	v43 =	vld [tilespmem:s4+$0x161E0]  }
0x1f5: {  	v44 =	vld [tilespmem:s4+$0x161F0]  }
0x1f6: {  	v45 =	vld [tilespmem:s4+$0x16580]  }
0x1f7: {  	v46 =	vld [tilespmem:s4+$0x16590]  }
0x1f8: {  	v20 =	vld [tilespmem:s4+$0x165A0]  }
0x1f9: {  	v19 =	vld [tilespmem:s4+$0x165B0]  }
0x1fa: {  	v18 =	vld [tilespmem:s4+$0x165C0]  }
0x1fb: {  	v17 =	vld [tilespmem:s4+$0x165D0]  }
0x1fc: {  	v16 =	vld [tilespmem:s4+$0x165E0]  }
0x1fd: {  	v15 =	vld [tilespmem:s4+$0x165F0]  }
0x1fe: {  	v47 =	vld [tilespmem:s4+$0x12100]  }
0x1ff: {  	v48 =	vld [tilespmem:s4+$0x12110]  }
0x200: {  	v49 =	vld [tilespmem:s4+$0x12120]  }
0x201: {  	v50 =	vld [tilespmem:s4+$0x12130]  }
0x202: {  	v51 =	vld [tilespmem:s4+$0x12140]  }
0x203: {  	v62 =	vld [tilespmem:s4+$0x12150];
	v21 =	vadd.f32 v21, v47  }
0x204: {  	v63 =	vld [tilespmem:s4+$0x12160];
	v22 =	vadd.f32 v22, v48  }
0x205: {  	[tilespmem:s4+$0x12100] =	vst v21;
	v21 =	vadd.f32 v23, v49;
	v23 =	vld [tilespmem:s4+$0x12170]  }
0x206: {  	[tilespmem:s4+$0x12110] =	vst v22;
	v22 =	vadd.f32 v24, v50;
	v24 =	vld [tilespmem:s4+$0x12500]  }
0x207: {  	[tilespmem:s4+$0x12120] =	vst v21;
	v21 =	vadd.f32 v25, v51;
	v25 =	vld [tilespmem:s4+$0x12510]  }
0x208: {  	[tilespmem:s4+$0x12130] =	vst v22;
	v22 =	vadd.f32 v26, v62;
	v26 =	vld [tilespmem:s4+$0x12520]  }
0x209: {  	[tilespmem:s4+$0x12140] =	vst v21;
	v21 =	vadd.f32 v27, v63;
	v27 =	vld [tilespmem:s4+$0x12530]  }
0x20a: {  	[tilespmem:s4+$0x12150] =	vst v22;
	v22 =	vadd.f32 v28, v23;
	v23 =	vld [tilespmem:s4+$0x12540]  }
0x20b: {  	[tilespmem:s4+$0x12160] =	vst v21;
	v21 =	vadd.f32 v29, v24;
	v24 =	vld [tilespmem:s4+$0x12550]  }
0x20c: {  	[tilespmem:s4+$0x12170] =	vst v22;
	v22 =	vadd.f32 v30, v25;
	v25 =	vld [tilespmem:s4+$0x12560]  }
0x20d: {  	[tilespmem:s4+$0x12500] =	vst v21;
	v21 =	vadd.f32 v31, v26;
	v26 =	vld [tilespmem:s4+$0x12570]  }
0x20e: {  	[tilespmem:s4+$0x12510] =	vst v22;
	v22 =	vadd.f32 v32, v27;
	v27 =	vld [tilespmem:s4+$0x12180]  }
0x20f: {  	[tilespmem:s4+$0x12520] =	vst v21;
	v21 =	vadd.f32 v33, v23;
	v23 =	vld [tilespmem:s4+$0x12190]  }
0x210: {  	[tilespmem:s4+$0x12530] =	vst v22;
	v22 =	vadd.f32 v34, v24;
	v24 =	vld [tilespmem:s4+$0x121A0]  }
0x211: {  	[tilespmem:s4+$0x12540] =	vst v21;
	v21 =	vadd.f32 v35, v25;
	v25 =	vld [tilespmem:s4+$0x121B0]  }
0x212: {  	[tilespmem:s4+$0x12550] =	vst v22;
	v22 =	vadd.f32 v36, v26;
	v26 =	vld [tilespmem:s4+$0x121C0]  }
0x213: {  	[tilespmem:s4+$0x12560] =	vst v21;
	v21 =	vadd.f32 v37, v27;
	v27 =	vld [tilespmem:s4+$0x121D0]  }
0x214: {  	[tilespmem:s4+$0x12570] =	vst v22;
	v22 =	vadd.f32 v38, v23;
	v23 =	vld [tilespmem:s4+$0x121E0]  }
0x215: {  	[tilespmem:s4+$0x12180] =	vst v21;
	v21 =	vadd.f32 v39, v24;
	v24 =	vld [tilespmem:s4+$0x121F0]  }
0x216: {  	[tilespmem:s4+$0x12190] =	vst v22;
	v22 =	vadd.f32 v40, v25;
	v25 =	vld [tilespmem:s4+$0x12580]  }
0x217: {  	v28 =	vld [tilespmem:s4+$0x12590];
	[tilespmem:s4+$0x121A0] =	vst v21;
	v21 =	vadd.f32 v41, v26  }
0x218: {  	[tilespmem:s4+$0x121B0] =	vst v22;
	v26 =	vadd.f32 v42, v27;
	v22 =	vld [tilespmem:s4+$0x125A0]  }
0x219: {  	[tilespmem:s4+$0x121C0] =	vst v21;
	v27 =	vadd.f32 v43, v23;
	v21 =	vld [tilespmem:s4+$0x125B0]  }
0x21a: {  	v23 =	vld [tilespmem:s4+$0x125C0];
	[tilespmem:s4+$0x121D0] =	vst v26;
	v29 =	vadd.f32 v44, v24  }
0x21b: {  	v24 =	vld [tilespmem:s4+$0x125D0];
	[tilespmem:s4+$0x121E0] =	vst v27;
	v26 =	vadd.f32 v45, v25  }
0x21c: {  	s6 =	simm.s32 $0x100;
	s7 =	simm.s32 $0x200;
	s5 =	simm.s32 $0x0;
	v27 =	vadd.f32 v46, v28;
	v25 =	vld [tilespmem:s4+$0x125E0];
	[tilespmem:s4+$0x121F0] =	vst v29  }
.LBB2_4:
0x21d: {  	s8 =	sand.u32 $0x3800, s7;
	s9 =	sand.u32 $0x300, s6;
	[tilespmem:s4+$0x12580] =	vst v26;
	v20 =	vadd.f32 v20, v22;
	v22 =	vld [tilespmem:s4+$0x125F0]  }
0x21e: {  	s8 =	sor.u32 s9, s8;
	[tilespmem:s4+$0x12590] =	vst v27;
	v19 =	vadd.f32 v19, v21  }
0x21f: {  	v21 =	vld [tilespmem:s8+$0x16100];
	[tilespmem:s4+$0x125A0] =	vst v20;
	v18 =	vadd.f32 v18, v23  }
0x220: {  	v23 =	vld [tilespmem:s8+$0x16110];
	[tilespmem:s4+$0x125B0] =	vst v19;
	v17 =	vadd.f32 v17, v24  }
0x221: {  	v24 =	vld [tilespmem:s8+$0x16120];
	[tilespmem:s4+$0x125C0] =	vst v18;
	v16 =	vadd.f32 v16, v25  }
0x222: {  	v25 =	vld [tilespmem:s8+$0x16130];
	[tilespmem:s4+$0x125D0] =	vst v17;
	v15 =	vadd.f32 v15, v22  }
0x223: {  	v22 =	vld [tilespmem:s8+$0x16140];
	[tilespmem:s4+$0x125E0] =	vst v16  }
0x224: {  	v26 =	vld [tilespmem:s8+$0x16150];
	[tilespmem:s4+$0x125F0] =	vst v15;
	s4 =	smov.u32 s8  }
0x225: {  	v27 =	vld [tilespmem:s4+$0x16160]  }
0x226: {  	v28 =	vld [tilespmem:s4+$0x16170]  }
0x227: {  	v29 =	vld [tilespmem:s4+$0x16500]  }
0x228: {  	v30 =	vld [tilespmem:s4+$0x16510]  }
0x229: {  	v31 =	vld [tilespmem:s4+$0x16520]  }
0x22a: {  	v32 =	vld [tilespmem:s4+$0x16530]  }
0x22b: {  	v33 =	vld [tilespmem:s4+$0x16540]  }
0x22c: {  	v34 =	vld [tilespmem:s4+$0x16550]  }
0x22d: {  	v35 =	vld [tilespmem:s4+$0x16560]  }
0x22e: {  	v36 =	vld [tilespmem:s4+$0x16570]  }
0x22f: {  	v37 =	vld [tilespmem:s4+$0x16180]  }
0x230: {  	v38 =	vld [tilespmem:s4+$0x16190]  }
0x231: {  	v39 =	vld [tilespmem:s4+$0x161A0]  }
0x232: {  	v40 =	vld [tilespmem:s4+$0x161B0]  }
0x233: {  	v41 =	vld [tilespmem:s4+$0x161C0]  }
0x234: {  	v42 =	vld [tilespmem:s4+$0x161D0]  }
0x235: {  	v43 =	vld [tilespmem:s4+$0x161E0]  }
0x236: {  	v44 =	vld [tilespmem:s4+$0x161F0]  }
0x237: {  	v45 =	vld [tilespmem:s4+$0x16580]  }
0x238: {  	v46 =	vld [tilespmem:s4+$0x16590]  }
0x239: {  	v20 =	vld [tilespmem:s4+$0x165A0]  }
0x23a: {  	v19 =	vld [tilespmem:s4+$0x165B0]  }
0x23b: {  	v18 =	vld [tilespmem:s4+$0x165C0]  }
0x23c: {  	v17 =	vld [tilespmem:s4+$0x165D0]  }
0x23d: {  	v16 =	vld [tilespmem:s4+$0x165E0]  }
0x23e: {  	v15 =	vld [tilespmem:s4+$0x165F0]  }
0x23f: {  	v47 =	vld [tilespmem:s4+$0x12100]  }
0x240: {  	v48 =	vld [tilespmem:s4+$0x12110]  }
0x241: {  	v49 =	vld [tilespmem:s4+$0x12120]  }
0x242: {  	v50 =	vld [tilespmem:s4+$0x12130]  }
0x243: {  	v51 =	vld [tilespmem:s4+$0x12140]  }
0x244: {  	v21 =	vadd.f32 v21, v47;
	v47 =	vld [tilespmem:s4+$0x12150]  }
0x245: {  	v23 =	vadd.f32 v23, v48;
	v48 =	vld [tilespmem:s4+$0x12160]  }
0x246: {  	[tilespmem:s4+$0x12100] =	vst v21;
	v21 =	vadd.f32 v24, v49;
	v24 =	vld [tilespmem:s4+$0x12170]  }
0x247: {  	[tilespmem:s4+$0x12110] =	vst v23;
	v23 =	vadd.f32 v25, v50;
	v25 =	vld [tilespmem:s4+$0x12500]  }
0x248: {  	[tilespmem:s4+$0x12120] =	vst v21;
	v21 =	vadd.f32 v22, v51;
	v22 =	vld [tilespmem:s4+$0x12510]  }
0x249: {  	[tilespmem:s4+$0x12130] =	vst v23;
	v23 =	vadd.f32 v26, v47;
	v26 =	vld [tilespmem:s4+$0x12520]  }
0x24a: {  	[tilespmem:s4+$0x12140] =	vst v21;
	v21 =	vadd.f32 v27, v48;
	v27 =	vld [tilespmem:s4+$0x12530]  }
0x24b: {  	[tilespmem:s4+$0x12150] =	vst v23;
	v23 =	vadd.f32 v28, v24;
	v24 =	vld [tilespmem:s4+$0x12540]  }
0x24c: {  	[tilespmem:s4+$0x12160] =	vst v21;
	v21 =	vadd.f32 v29, v25;
	v25 =	vld [tilespmem:s4+$0x12550]  }
0x24d: {  	[tilespmem:s4+$0x12170] =	vst v23;
	v22 =	vadd.f32 v30, v22;
	v23 =	vld [tilespmem:s4+$0x12560]  }
0x24e: {  	[tilespmem:s4+$0x12500] =	vst v21;
	v21 =	vadd.f32 v31, v26;
	v26 =	vld [tilespmem:s4+$0x12570]  }
0x24f: {  	[tilespmem:s4+$0x12510] =	vst v22;
	v22 =	vadd.f32 v32, v27;
	v27 =	vld [tilespmem:s4+$0x12180]  }
0x250: {  	[tilespmem:s4+$0x12520] =	vst v21;
	v21 =	vadd.f32 v33, v24;
	v24 =	vld [tilespmem:s4+$0x12190]  }
0x251: {  	[tilespmem:s4+$0x12530] =	vst v22;
	v22 =	vadd.f32 v34, v25;
	v25 =	vld [tilespmem:s4+$0x121A0]  }
0x252: {  	[tilespmem:s4+$0x12540] =	vst v21;
	v21 =	vadd.f32 v35, v23;
	v23 =	vld [tilespmem:s4+$0x121B0]  }
0x253: {  	[tilespmem:s4+$0x12550] =	vst v22;
	v22 =	vadd.f32 v36, v26;
	v26 =	vld [tilespmem:s4+$0x121C0]  }
0x254: {  	[tilespmem:s4+$0x12560] =	vst v21;
	v21 =	vadd.f32 v37, v27;
	v27 =	vld [tilespmem:s4+$0x121D0]  }
0x255: {  	[tilespmem:s4+$0x12570] =	vst v22;
	v22 =	vadd.f32 v38, v24;
	v24 =	vld [tilespmem:s4+$0x121E0]  }
0x256: {  	[tilespmem:s4+$0x12180] =	vst v21;
	v21 =	vadd.f32 v39, v25;
	v25 =	vld [tilespmem:s4+$0x121F0]  }
0x257: {  	s5 =	sadd.s32 $0x2, s5;
	[tilespmem:s4+$0x12190] =	vst v22;
	v22 =	vadd.f32 v40, v23;
	v28 =	vld [tilespmem:s4+$0x12580]  }
0x258: {  	p0 =	slt.u32 s5, $0x3E;
	[tilespmem:s4+$0x121A0] =	vst v21;
	v21 =	vadd.f32 v41, v26;
	v29 =	vld [tilespmem:s4+$0x12590]  }
.Ltmp1:
0x259: {  	[tilespmem:s4+$0x121B0] =	vst v22;
	v23 =	vadd.f32 v42, v27;
	v22 =	vld [tilespmem:s4+$0x125A0];
	(pc) =	sbr.rel @p0 .LBB2_4-.Ltmp1, $4  }
0x25a: {  	[tilespmem:s4+$0x121C0] =	vst v21;
	v24 =	vadd.f32 v43, v24;
	v21 =	vld [tilespmem:s4+$0x125B0]  }
0x25b: {  	[tilespmem:s4+$0x121D0] =	vst v23;
	v25 =	vadd.f32 v44, v25;
	v23 =	vld [tilespmem:s4+$0x125C0]  }
0x25c: {  	[tilespmem:s4+$0x121E0] =	vst v24;
	v26 =	vadd.f32 v45, v28;
	v24 =	vld [tilespmem:s4+$0x125D0]  }
0x25d: {  	s6 =	sadd.s32 $0x100, s6;
	s7 =	sadd.s32 $0x200, s7;
	[tilespmem:s4+$0x121F0] =	vst v25;
	v27 =	vadd.f32 v46, v29;
	v25 =	vld [tilespmem:s4+$0x125E0]  }
0x25e: {  	[tilespmem:s4+$0x12580] =	vst v26;
	v20 =	vadd.f32 v20, v22;
	v63 =	vld [tilespmem:s4+$0x125F0]  }
0x25f: {  	[tilespmem:s4+$0x12590] =	vst v27;
	v19 =	vadd.f32 v19, v21  }
0x260: {  	[tilespmem:s4+$0x125A0] =	vst v20;
	v18 =	vadd.f32 v18, v23  }
0x261: {  	[tilespmem:s4+$0x125B0] =	vst v19;
	v17 =	vadd.f32 v17, v24  }
0x262: {  	[tilespmem:s4+$0x125C0] =	vst v18;
	v16 =	vadd.f32 v16, v25  }
0x263: {  	[tilespmem:s4+$0x125D0] =	vst v17;
	v15 =	vadd.f32 v15, v63  }
0x264: {  	s23 =	rddreg [dreg:$0x8];
	[tilespmem:s4+$0x125E0] =	vst v16  }
0x265: {  	s1 =	simm.s32 $0x800;
	s5 =	simm.s32 $0x4000;
	s6 =	simm.s32 $0x9;
	[tilespmem:s4+$0x125F0] =	vst v15  }
0x266: {  	[hbm4b:s23+s1] =	stream.strided.scatter [tilespmem:s25], [sflag:$0x9], $0x4000, s5, s1, $0x38;
	[tilespmem:$0x1A100] =	vst v63  }
0x267: {  	_ =	swait.ge [sflag:s6], $0x4000  }
0x268: {  	s24 =	rddreg [dreg:$0xa]  }
0x269: {  	s26 =	rddreg [dreg:$0x9];
	s5 =	sadd.s32 $0x1, s24  }
0x26a: {  	p0 =	sne.s32 s5, s26  }
.Ltmp2:
0x26b: {  	_ = 	snop;
	(pc) =	sbr.rel @p0 .LBB2_1-.Ltmp2, $4  }
0x26c: {  	s2 =	simm.s32 $0x2100  }
0x26d: {  	s8 =	simm.s32 $0x4100;
	s9 =	simm.s32 $0x6100;
	s12 =	simm.s32 $0x8100  }
0x26e: {  	s13 =	simm.s32 $0xA100;
	s19 =	simm.s32 $0xC100;
	[sflag:s6] =	ssyncset.done $0x0  }
0x26f: {  	s1 =	simm.s32 $0x100;
	[sflag:s6] =	ssyncadd.s32 $0xFFFFC000;
	s26 =	simm.s32 $0xE100  }
0x270: {  	_ =	sfence.sel $0x180000  }
0x271: {  	[bflag:$0x0] =	sbarrier.arrive $0xFFFF  }
0x272: {  	_ =	strace $0x90000047  }
0x273: {  	s0 =	stileid.u32;
	[bflag:$0x2] =	sbarrier.arrive $0xFFFF  }
0x274: {  	p0 =	sne.s32 s0, $0x0;
	s0 =	rddreg [dreg:$0x4]  }
0x275: {  	s0 =	sadd.s32 @!p0 $0x100000, s0  }
0x276: {  	[sflag:s0] =	ssyncadd.tile.s32 @!p0 $0x1;
	_ =	shalt  }
.Lfunc_end2:
_tile_overlayer_lowered:
.L_overlay_start_2:
0x277: {  	(tag) =	ssettag $0x2  }
0x278: {  	s0 =	rddreg [dreg:$0x0];
	s2 =	stileid.u32  }
0x279: {  	s1 =	rddreg [dreg:$0x1];
	p0 =	sne.s32 s2, $0x0  }
0x27a: {  	s3 =	rddreg [dreg:$0x2];
	[bflag:$0x3] =	sbarrier.arrive $0xFFFF;
	s2 =	simm.s32 @!p0 $0x1C09  }
0x27b: {  	[timem:s3], [sflag:s2] =	dma.local @!p0 [hbm:s0], s1  }
0x27c: {  	s0 =	simm.s32 @!p0 $0x9  }
0x27d: {  	_ =	swait.ge @!p0 [sflag:s0], s1  }
0x27e: {  	s1 =	ssub.s32 @!p0 $0x0, s1;
	[sflag:s0] =	ssyncset.done @!p0 $0x0  }
0x27f: {  	[sflag:s0] =	ssyncadd.s32 @!p0 s1  }
0x280: {  	[bflag:$0x3] =	sbarrier.arrive $0xFFFF  }
0x281: {  	_ =	shalt  }

</sc_bundles>
